<compile_context>
chip_gen: v7x
topology: tpu7x:2x2x1
jax: 0.10.2.dev20260603
libtpu: 0.0.44.dev20260713+nightly
codegen_flags: <defaults>
</compile_context>

<pallas_src>
import functools

import jax
import jax.numpy as jnp
from jax import lax
from jax.experimental import pallas as pl
from jax.experimental.pallas import tpu as pltpu
from jax.experimental.pallas import tpu_sc as plsc

N = 100000
D = 128
N_TYPES = 4
L = 16
NC, NS = 2, 16
NW = NC * NS


BLOCK = 16384


def _tc_body(w_ref, d_ref, s0_ref, s1_ref, s2_ref, s3_ref):
    st = lax.dot_general(
        w_ref[...], d_ref[...],
        dimension_numbers=(((1,), (1,)), ((), ())),
        preferred_element_type=jnp.float32)
    s0_ref[...] = st[0, :]
    s1_ref[...] = st[1, :]
    s2_ref[...] = st[2, :]
    s3_ref[...] = st[3, :]


_tc_matmul = pl.pallas_call(
    _tc_body,
    grid=(pl.cdiv(N, BLOCK),),
    in_specs=[
        pl.BlockSpec((N_TYPES, D), lambda i: (0, 0)),
        pl.BlockSpec((BLOCK, D), lambda i: (i, 0)),
    ],
    out_specs=[pl.BlockSpec((BLOCK,), lambda i: (i,))] * N_TYPES,
    out_shape=[jax.ShapeDtypeStruct((N,), jnp.float32)] * N_TYPES,
)


CHUNK = 2000
NCHUNKS = N // CHUNK
ITERS = (NCHUNKS + NW - 1) // NW
PAIRS = ITERS // 2


def _sc_body(st0_hbm, st1_hbm, st2_hbm, st3_hbm, elems_hbm, b_hbm, out_hbm,
             sbuf0, sbuf1, ebuf0, ebuf1, obuf0, obuf1, bbuf,
             isem0, isem1, osem0, osem1):
    wid = lax.axis_index("s") * NC + lax.axis_index("c")
    sbuf = (sbuf0, sbuf1)
    ebuf = (ebuf0, ebuf1)
    obuf = (obuf0, obuf1)
    isem = (isem0, isem1)
    osem = (osem0, osem1)
    st_hbm = (st0_hbm, st1_hbm, st2_hbm, st3_hbm)
    pltpu.sync_copy(b_hbm, bbuf)

    def start_in(b, c):
        for t in range(N_TYPES):
            pltpu.async_copy(st_hbm[t].at[pl.ds(c * CHUNK, CHUNK)],
                             sbuf[b].at[pl.ds(t * CHUNK, CHUNK)], isem[b])
        pltpu.async_copy(elems_hbm.at[pl.ds(c * CHUNK, CHUNK)], ebuf[b],
                         isem[b])

    def wait_in(b):
        for t in range(N_TYPES):
            pltpu.make_async_copy(st_hbm[0].at[pl.ds(0, CHUNK)],
                                  sbuf[b].at[pl.ds(0, CHUNK)], isem[b]).wait()
        pltpu.make_async_copy(elems_hbm.at[pl.ds(0, CHUNK)], ebuf[b],
                              isem[b]).wait()

    def start_out(b, c):
        pltpu.async_copy(obuf[b], out_hbm.at[pl.ds(c * CHUNK, CHUNK)],
                         osem[b])

    def wait_out(b):
        pltpu.make_async_copy(obuf[b], out_hbm.at[pl.ds(0, CHUNK)],
                              osem[b]).wait()

    def compute(b):
        sb, eb, ob = sbuf[b], ebuf[b], obuf[b]
        bias = bbuf[pl.ds(0, L)]

        @plsc.parallel_loop(0, CHUNK // L, unroll=4)
        def group_body(g):
            ev = eb[pl.ds(g * L, L)]
            c0 = sb[pl.ds(0 * CHUNK + g * L, L)]
            c1 = sb[pl.ds(1 * CHUNK + g * L, L)]
            c2 = sb[pl.ds(2 * CHUNK + g * L, L)]
            c3 = sb[pl.ds(3 * CHUNK + g * L, L)]
            sel = jnp.where(ev == 0, c0,
                            jnp.where(ev == 1, c1,
                                      jnp.where(ev == 2, c2, c3)))
            ob[pl.ds(g * L, L)] = sel + bias

    start_in(0, wid)

    @pl.when(NW + wid < NCHUNKS)
    def _():
        start_in(1, NW + wid)

    def pair_body(p, _):
        for b in (0, 1):
            i = 2 * p + b
            c = i * NW + wid
            cn2 = c + 2 * NW

            @pl.when(c < NCHUNKS)
            def _():
                wait_in(b)

                @pl.when(p >= 1)
                def _():
                    wait_out(b)

                compute(b)
                start_out(b, c)

                @pl.when(cn2 < NCHUNKS)
                def _():
                    start_in(b, cn2)

        return 0

    lax.fori_loop(0, PAIRS, pair_body, 0)

    wait_out(0)

    @pl.when((2 * PAIRS - 1) * NW + wid < NCHUNKS)
    def _():
        wait_out(1)


_mesh = plsc.VectorSubcoreMesh(core_axis_name="c", subcore_axis_name="s")

_sc_select = functools.partial(
    pl.kernel,
    mesh=_mesh,
    compiler_params=pltpu.CompilerParams(needs_layout_passes=False),
    out_type=jax.ShapeDtypeStruct((N,), jnp.float32),
    scratch_types=[
        pltpu.VMEM((CHUNK * N_TYPES,), jnp.float32),
        pltpu.VMEM((CHUNK * N_TYPES,), jnp.float32),
        pltpu.VMEM((CHUNK,), jnp.int32),
        pltpu.VMEM((CHUNK,), jnp.int32),
        pltpu.VMEM((CHUNK,), jnp.float32),
        pltpu.VMEM((CHUNK,), jnp.float32),
        pltpu.VMEM((L,), jnp.float32),
        pltpu.SemaphoreType.DMA,
        pltpu.SemaphoreType.DMA,
        pltpu.SemaphoreType.DMA,
        pltpu.SemaphoreType.DMA,
    ],
)(_sc_body)


def kernel(descriptors, elems, W, b):
    wt = W.reshape(N_TYPES, D)
    s0, s1, s2, s3 = _tc_matmul(wt, descriptors)
    bb = jnp.broadcast_to(b, (L,))
    dots = _sc_select(s0, s1, s2, s3, elems.astype(jnp.int32), bb)
    return dots.reshape(N, 1)

# --- scband reference (transcript-rebuilt; emitter-appended) ---
"""Pipeline reference for scband-unpack-elems-240518169181 (READ-ONLY COPY).

The authoritative reference and input builder live on the scoring server;
editing this copy changes nothing except your own understanding.
"""

import jax, jax.numpy as jnp
import numpy as np

N = 100000
D = 128
N_TYPES = 4

def setup_inputs(seed: int = 0) -> dict:
    key = jax.random.key(seed)
    k1, k2, k3 = jax.random.split(key, 3)
    descriptors = jax.random.normal(k1, (N, D), dtype=jnp.float32)
    elems = jax.random.randint(k2, (N,), 0, N_TYPES)
    # subnet parameters: a linear layer mapping the unpacked (n_types*D) descriptor
    # vector to a per-atom scalar attribute (e.g., per-atom energy)
    W = jax.random.normal(k3, (N_TYPES * D, 1), dtype=jnp.float32) * 0.02
    b = jnp.zeros((1,), dtype=jnp.float32)
    return {"descriptors": descriptors, "elems": elems, "W": W, "b": b}

def reference(descriptors, elems, W, b):
    n = descriptors.shape[0]
    d = descriptors.shape[1]
    n_types = W.shape[0] // d
    # UnpackElems: scatter each atom's descriptor into the slice for its element type
    unpacked = jnp.zeros((n, n_types, d), dtype=descriptors.dtype)
    unpacked = unpacked.at[jnp.arange(n), elems, :].set(descriptors)
    flat = unpacked.reshape(n, n_types * d)
    # subnet(flat, elems): linear per-atom readout (elems unused by this subnet)
    return flat @ W + b

if __name__ == "__main__":
    import jax
    _d = setup_inputs()
    print(jax.jit(kernel)(*tuple(_d.values())))

</pallas_src>

<mosaic_0001>
#map = affine_map<(d0, d1) -> (0)>
module attributes {stable_mosaic.version = 14 : i64} {
  func.func @_sc_body(%arg0: i32, %arg1: i32, %arg2: memref<100000xf32, #tpu.memory_space<hbm>>, %arg3: memref<100000xf32, #tpu.memory_space<hbm>>, %arg4: memref<100000xf32, #tpu.memory_space<hbm>>, %arg5: memref<100000xf32, #tpu.memory_space<hbm>>, %arg6: memref<100000xi32, #tpu.memory_space<hbm>>, %arg7: memref<16xf32, #tpu.memory_space<hbm>>, %arg8: memref<100000xf32, #tpu.memory_space<hbm>>, %arg9: memref<8000xf32, #tpu.memory_space<vmem>>, %arg10: memref<8000xf32, #tpu.memory_space<vmem>>, %arg11: memref<2000xi32, #tpu.memory_space<vmem>>, %arg12: memref<2000xi32, #tpu.memory_space<vmem>>, %arg13: memref<2000xf32, #tpu.memory_space<vmem>>, %arg14: memref<2000xf32, #tpu.memory_space<vmem>>, %arg15: memref<16xf32, #tpu.memory_space<vmem>>, %arg16: memref<!tpu.dma_semaphore, #tpu.memory_space<semaphore_mem>>, %arg17: memref<!tpu.dma_semaphore, #tpu.memory_space<semaphore_mem>>, %arg18: memref<!tpu.dma_semaphore, #tpu.memory_space<semaphore_mem>>, %arg19: memref<!tpu.dma_semaphore, #tpu.memory_space<semaphore_mem>>) attributes {dimension_semantics = [#tpu.dimension_semantics<core_parallel>, #tpu.dimension_semantics<subcore_parallel>], iteration_bounds = array<i64: 2, 16>, scalar_prefetch = 0 : i64, scratch_operands = 11 : i64, tpu.core_type = #tpu.core_type<sc_vector_subcore>, window_params = [{transform_indices = #map}, {transform_indices = #map}, {transform_indices = #map}, {transform_indices = #map}, {transform_indices = #map}, {transform_indices = #map}, {transform_indices = #map}]} {
    %mul3A = arith.constant 2 : i32
    %mul3A_0 = arith.muli %arg1, %mul3A : i32
    %add3A = arith.addi %mul3A_0, %arg0 : i32
    "tpu.region"() ({
      %run_scoped3A = tpu.sem_alloc : memref<!tpu.dma_semaphore, #tpu.memory_space<semaphore_mem>>
      tpu.enqueue_dma source(%arg7 : memref<16xf32, #tpu.memory_space<hbm>>) target(%arg15 : memref<16xf32, #tpu.memory_space<vmem>>) target_semaphore(%run_scoped3A : memref<!tpu.dma_semaphore, #tpu.memory_space<semaphore_mem>>)
      tpu.wait_dma2 semaphore(%run_scoped3A : memref<!tpu.dma_semaphore, #tpu.memory_space<semaphore_mem>>) src(%arg7 : memref<16xf32, #tpu.memory_space<hbm>>) dst(%arg15 : memref<16xf32, #tpu.memory_space<vmem>>)
      tpu.yield
    }) : () -> ()
    %mul3A_1 = arith.constant 2000 : i32
    %mul3A_2 = arith.muli %add3A, %mul3A_1 : i32
    %dma_start3A = arith.constant 0 : i32
    %dma_start3A_3 = tpu.memref_slice %arg9[%dma_start3A] : memref<8000xf32, #tpu.memory_space<vmem>> -> memref<2000xf32, #tpu.memory_space<vmem>>
    %dma_start3A_4 = tpu.memref_slice %arg2[%mul3A_2] : memref<100000xf32, #tpu.memory_space<hbm>> -> memref<2000xf32, #tpu.memory_space<hbm>>
    %dma_start3A_5 = arith.constant 0 : i32
    %dma_start3A_6 = tpu.memref_slice %arg9[%dma_start3A_5] : memref<8000xf32, #tpu.memory_space<vmem>> -> memref<2000xf32, #tpu.memory_space<vmem>>
    %dma_start3A_7 = tpu.memref_slice %arg2[%mul3A_2] : memref<100000xf32, #tpu.memory_space<hbm>> -> memref<2000xf32, #tpu.memory_space<hbm>>
    tpu.enqueue_dma source(%dma_start3A_7 : memref<2000xf32, #tpu.memory_space<hbm>>) target(%dma_start3A_6 : memref<2000xf32, #tpu.memory_space<vmem>>) target_semaphore(%arg16 : memref<!tpu.dma_semaphore, #tpu.memory_space<semaphore_mem>>)
    %mul3A_8 = arith.constant 2000 : i32
    %mul3A_9 = arith.muli %add3A, %mul3A_8 : i32
    %dma_start3A_10 = arith.constant 2000 : i32
    %dma_start3A_11 = tpu.memref_slice %arg9[%dma_start3A_10] : memref<8000xf32, #tpu.memory_space<vmem>> -> memref<2000xf32, #tpu.memory_space<vmem>>
    %dma_start3A_12 = tpu.memref_slice %arg3[%mul3A_9] : memref<100000xf32, #tpu.memory_space<hbm>> -> memref<2000xf32, #tpu.memory_space<hbm>>
    %dma_start3A_13 = arith.constant 2000 : i32
    %dma_start3A_14 = tpu.memref_slice %arg9[%dma_start3A_13] : memref<8000xf32, #tpu.memory_space<vmem>> -> memref<2000xf32, #tpu.memory_space<vmem>>
    %dma_start3A_15 = tpu.memref_slice %arg3[%mul3A_9] : memref<100000xf32, #tpu.memory_space<hbm>> -> memref<2000xf32, #tpu.memory_space<hbm>>
    tpu.enqueue_dma source(%dma_start3A_15 : memref<2000xf32, #tpu.memory_space<hbm>>) target(%dma_start3A_14 : memref<2000xf32, #tpu.memory_space<vmem>>) target_semaphore(%arg16 : memref<!tpu.dma_semaphore, #tpu.memory_space<semaphore_mem>>)
    %mul3A_16 = arith.constant 2000 : i32
    %mul3A_17 = arith.muli %add3A, %mul3A_16 : i32
    %dma_start3A_18 = arith.constant 4000 : i32
    %dma_start3A_19 = tpu.memref_slice %arg9[%dma_start3A_18] : memref<8000xf32, #tpu.memory_space<vmem>> -> memref<2000xf32, #tpu.memory_space<vmem>>
    %dma_start3A_20 = tpu.memref_slice %arg4[%mul3A_17] : memref<100000xf32, #tpu.memory_space<hbm>> -> memref<2000xf32, #tpu.memory_space<hbm>>
    %dma_start3A_21 = arith.constant 4000 : i32
    %dma_start3A_22 = tpu.memref_slice %arg9[%dma_start3A_21] : memref<8000xf32, #tpu.memory_space<vmem>> -> memref<2000xf32, #tpu.memory_space<vmem>>
    %dma_start3A_23 = tpu.memref_slice %arg4[%mul3A_17] : memref<100000xf32, #tpu.memory_space<hbm>> -> memref<2000xf32, #tpu.memory_space<hbm>>
    tpu.enqueue_dma source(%dma_start3A_23 : memref<2000xf32, #tpu.memory_space<hbm>>) target(%dma_start3A_22 : memref<2000xf32, #tpu.memory_space<vmem>>) target_semaphore(%arg16 : memref<!tpu.dma_semaphore, #tpu.memory_space<semaphore_mem>>)
    %mul3A_24 = arith.constant 2000 : i32
    %mul3A_25 = arith.muli %add3A, %mul3A_24 : i32
    %dma_start3A_26 = arith.constant 6000 : i32
    %dma_start3A_27 = tpu.memref_slice %arg9[%dma_start3A_26] : memref<8000xf32, #tpu.memory_space<vmem>> -> memref<2000xf32, #tpu.memory_space<vmem>>
    %dma_start3A_28 = tpu.memref_slice %arg5[%mul3A_25] : memref<100000xf32, #tpu.memory_space<hbm>> -> memref<2000xf32, #tpu.memory_space<hbm>>
    %dma_start3A_29 = arith.constant 6000 : i32
    %dma_start3A_30 = tpu.memref_slice %arg9[%dma_start3A_29] : memref<8000xf32, #tpu.memory_space<vmem>> -> memref<2000xf32, #tpu.memory_space<vmem>>
    %dma_start3A_31 = tpu.memref_slice %arg5[%mul3A_25] : memref<100000xf32, #tpu.memory_space<hbm>> -> memref<2000xf32, #tpu.memory_space<hbm>>
    tpu.enqueue_dma source(%dma_start3A_31 : memref<2000xf32, #tpu.memory_space<hbm>>) target(%dma_start3A_30 : memref<2000xf32, #tpu.memory_space<vmem>>) target_semaphore(%arg16 : memref<!tpu.dma_semaphore, #tpu.memory_space<semaphore_mem>>)
    %mul3A_32 = arith.constant 2000 : i32
    %mul3A_33 = arith.muli %add3A, %mul3A_32 : i32
    %dma_start3A_34 = tpu.memref_slice %arg6[%mul3A_33] : memref<100000xi32, #tpu.memory_space<hbm>> -> memref<2000xi32, #tpu.memory_space<hbm>>
    %dma_start3A_35 = tpu.memref_slice %arg6[%mul3A_33] : memref<100000xi32, #tpu.memory_space<hbm>> -> memref<2000xi32, #tpu.memory_space<hbm>>
    tpu.enqueue_dma source(%dma_start3A_35 : memref<2000xi32, #tpu.memory_space<hbm>>) target(%arg11 : memref<2000xi32, #tpu.memory_space<vmem>>) target_semaphore(%arg16 : memref<!tpu.dma_semaphore, #tpu.memory_space<semaphore_mem>>)
    %add3A_36 = arith.constant 32 : i32
    %add3A_37 = arith.addi %add3A_36, %add3A : i32
    %lt3A = arith.constant 50 : i32
    %lt3A_38 = arith.cmpi slt, %add3A_37, %lt3A : i32
    %convert_element_type3A = arith.extui %lt3A_38 : i1 to i32
    %cond3A = arith.constant 0 : i32
    %cond3A_39 = arith.cmpi ne, %convert_element_type3A, %cond3A : i32
    scf.if %cond3A_39 {
      %add3A_81 = arith.constant 32 : i32
      %add3A_82 = arith.addi %add3A_81, %add3A : i32
      %mul3A_83 = arith.constant 2000 : i32
      %mul3A_84 = arith.muli %add3A_82, %mul3A_83 : i32
      %dma_start3A_85 = arith.constant 0 : i32
      %dma_start3A_86 = tpu.memref_slice %arg10[%dma_start3A_85] : memref<8000xf32, #tpu.memory_space<vmem>> -> memref<2000xf32, #tpu.memory_space<vmem>>
      %dma_start3A_87 = tpu.memref_slice %arg2[%mul3A_84] : memref<100000xf32, #tpu.memory_space<hbm>> -> memref<2000xf32, #tpu.memory_space<hbm>>
      %dma_start3A_88 = arith.constant 0 : i32
      %dma_start3A_89 = tpu.memref_slice %arg10[%dma_start3A_88] : memref<8000xf32, #tpu.memory_space<vmem>> -> memref<2000xf32, #tpu.memory_space<vmem>>
      %dma_start3A_90 = tpu.memref_slice %arg2[%mul3A_84] : memref<100000xf32, #tpu.memory_space<hbm>> -> memref<2000xf32, #tpu.memory_space<hbm>>
      tpu.enqueue_dma source(%dma_start3A_90 : memref<2000xf32, #tpu.memory_space<hbm>>) target(%dma_start3A_89 : memref<2000xf32, #tpu.memory_space<vmem>>) target_semaphore(%arg17 : memref<!tpu.dma_semaphore, #tpu.memory_space<semaphore_mem>>)
      %mul3A_91 = arith.constant 2000 : i32
      %mul3A_92 = arith.muli %add3A_82, %mul3A_91 : i32
      %dma_start3A_93 = arith.constant 2000 : i32
      %dma_start3A_94 = tpu.memref_slice %arg10[%dma_start3A_93] : memref<8000xf32, #tpu.memory_space<vmem>> -> memref<2000xf32, #tpu.memory_space<vmem>>
      %dma_start3A_95 = tpu.memref_slice %arg3[%mul3A_92] : memref<100000xf32, #tpu.memory_space<hbm>> -> memref<2000xf32, #tpu.memory_space<hbm>>
      %dma_start3A_96 = arith.constant 2000 : i32
      %dma_start3A_97 = tpu.memref_slice %arg10[%dma_start3A_96] : memref<8000xf32, #tpu.memory_space<vmem>> -> memref<2000xf32, #tpu.memory_space<vmem>>
      %dma_start3A_98 = tpu.memref_slice %arg3[%mul3A_92] : memref<100000xf32, #tpu.memory_space<hbm>> -> memref<2000xf32, #tpu.memory_space<hbm>>
      tpu.enqueue_dma source(%dma_start3A_98 : memref<2000xf32, #tpu.memory_space<hbm>>) target(%dma_start3A_97 : memref<2000xf32, #tpu.memory_space<vmem>>) target_semaphore(%arg17 : memref<!tpu.dma_semaphore, #tpu.memory_space<semaphore_mem>>)
      %mul3A_99 = arith.constant 2000 : i32
      %mul3A_100 = arith.muli %add3A_82, %mul3A_99 : i32
      %dma_start3A_101 = arith.constant 4000 : i32
      %dma_start3A_102 = tpu.memref_slice %arg10[%dma_start3A_101] : memref<8000xf32, #tpu.memory_space<vmem>> -> memref<2000xf32, #tpu.memory_space<vmem>>
      %dma_start3A_103 = tpu.memref_slice %arg4[%mul3A_100] : memref<100000xf32, #tpu.memory_space<hbm>> -> memref<2000xf32, #tpu.memory_space<hbm>>
      %dma_start3A_104 = arith.constant 4000 : i32
      %dma_start3A_105 = tpu.memref_slice %arg10[%dma_start3A_104] : memref<8000xf32, #tpu.memory_space<vmem>> -> memref<2000xf32, #tpu.memory_space<vmem>>
      %dma_start3A_106 = tpu.memref_slice %arg4[%mul3A_100] : memref<100000xf32, #tpu.memory_space<hbm>> -> memref<2000xf32, #tpu.memory_space<hbm>>
      tpu.enqueue_dma source(%dma_start3A_106 : memref<2000xf32, #tpu.memory_space<hbm>>) target(%dma_start3A_105 : memref<2000xf32, #tpu.memory_space<vmem>>) target_semaphore(%arg17 : memref<!tpu.dma_semaphore, #tpu.memory_space<semaphore_mem>>)
      %mul3A_107 = arith.constant 2000 : i32
      %mul3A_108 = arith.muli %add3A_82, %mul3A_107 : i32
      %dma_start3A_109 = arith.constant 6000 : i32
      %dma_start3A_110 = tpu.memref_slice %arg10[%dma_start3A_109] : memref<8000xf32, #tpu.memory_space<vmem>> -> memref<2000xf32, #tpu.memory_space<vmem>>
      %dma_start3A_111 = tpu.memref_slice %arg5[%mul3A_108] : memref<100000xf32, #tpu.memory_space<hbm>> -> memref<2000xf32, #tpu.memory_space<hbm>>
      %dma_start3A_112 = arith.constant 6000 : i32
      %dma_start3A_113 = tpu.memref_slice %arg10[%dma_start3A_112] : memref<8000xf32, #tpu.memory_space<vmem>> -> memref<2000xf32, #tpu.memory_space<vmem>>
      %dma_start3A_114 = tpu.memref_slice %arg5[%mul3A_108] : memref<100000xf32, #tpu.memory_space<hbm>> -> memref<2000xf32, #tpu.memory_space<hbm>>
      tpu.enqueue_dma source(%dma_start3A_114 : memref<2000xf32, #tpu.memory_space<hbm>>) target(%dma_start3A_113 : memref<2000xf32, #tpu.memory_space<vmem>>) target_semaphore(%arg17 : memref<!tpu.dma_semaphore, #tpu.memory_space<semaphore_mem>>)
      %mul3A_115 = arith.constant 2000 : i32
      %mul3A_116 = arith.muli %add3A_82, %mul3A_115 : i32
      %dma_start3A_117 = tpu.memref_slice %arg6[%mul3A_116] : memref<100000xi32, #tpu.memory_space<hbm>> -> memref<2000xi32, #tpu.memory_space<hbm>>
      %dma_start3A_118 = tpu.memref_slice %arg6[%mul3A_116] : memref<100000xi32, #tpu.memory_space<hbm>> -> memref<2000xi32, #tpu.memory_space<hbm>>
      tpu.enqueue_dma source(%dma_start3A_118 : memref<2000xi32, #tpu.memory_space<hbm>>) target(%arg12 : memref<2000xi32, #tpu.memory_space<vmem>>) target_semaphore(%arg17 : memref<!tpu.dma_semaphore, #tpu.memory_space<semaphore_mem>>)
    } else {
    }
    %scan3A = arith.constant 0 : i32
    %scan3A_40 = arith.constant 0 : i32
    %mul3A_41 = arith.constant 2 : i32
    %mul3A_42 = arith.muli %mul3A_41, %scan3A_40 : i32
    %add3A_43 = arith.constant 0 : i32
    %add3A_44 = arith.addi %mul3A_42, %add3A_43 : i32
    %mul3A_45 = arith.constant 32 : i32
    %mul3A_46 = arith.muli %add3A_44, %mul3A_45 : i32
    %add3A_47 = arith.addi %mul3A_46, %add3A : i32
    %add3A_48 = arith.constant 64 : i32
    %add3A_49 = arith.addi %add3A_47, %add3A_48 : i32
    %lt3A_50 = arith.constant 50 : i32
    %lt3A_51 = arith.cmpi slt, %add3A_47, %lt3A_50 : i32
    %convert_element_type3A_52 = arith.extui %lt3A_51 : i1 to i32
    %cond3A_53 = arith.constant 0 : i32
    %cond3A_54 = arith.cmpi ne, %convert_element_type3A_52, %cond3A_53 : i32
    scf.if %cond3A_54 {
      %dma_wait3A_81 = arith.constant 0 : i32
      %dma_wait3A_82 = tpu.memref_slice %arg9[%dma_wait3A_81] : memref<8000xf32, #tpu.memory_space<vmem>> -> memref<2000xf32, #tpu.memory_space<vmem>>
      %dma_wait3A_83 = arith.constant 0 : i32
      %dma_wait3A_84 = tpu.memref_slice %arg2[%dma_wait3A_83] : memref<100000xf32, #tpu.memory_space<hbm>> -> memref<2000xf32, #tpu.memory_space<hbm>>
      %dma_wait3A_85 = arith.constant 0 : i32
      %dma_wait3A_86 = tpu.memref_slice %arg9[%dma_wait3A_85] : memref<8000xf32, #tpu.memory_space<vmem>> -> memref<2000xf32, #tpu.memory_space<vmem>>
      %dma_wait3A_87 = arith.constant 0 : i32
      %dma_wait3A_88 = tpu.memref_slice %arg2[%dma_wait3A_87] : memref<100000xf32, #tpu.memory_space<hbm>> -> memref<2000xf32, #tpu.memory_space<hbm>>
      tpu.wait_dma2 semaphore(%arg16 : memref<!tpu.dma_semaphore, #tpu.memory_space<semaphore_mem>>) src(%dma_wait3A_88 : memref<2000xf32, #tpu.memory_space<hbm>>) dst(%dma_wait3A_86 : memref<2000xf32, #tpu.memory_space<vmem>>)
      %dma_wait3A_89 = arith.constant 0 : i32
      %dma_wait3A_90 = tpu.memref_slice %arg9[%dma_wait3A_89] : memref<8000xf32, #tpu.memory_space<vmem>> -> memref<2000xf32, #tpu.memory_space<vmem>>
      %dma_wait3A_91 = arith.constant 0 : i32
      %dma_wait3A_92 = tpu.memref_slice %arg2[%dma_wait3A_91] : memref<100000xf32, #tpu.memory_space<hbm>> -> memref<2000xf32, #tpu.memory_space<hbm>>
      %dma_wait3A_93 = arith.constant 0 : i32
      %dma_wait3A_94 = tpu.memref_slice %arg9[%dma_wait3A_93] : memref<8000xf32, #tpu.memory_space<vmem>> -> memref<2000xf32, #tpu.memory_space<vmem>>
      %dma_wait3A_95 = arith.constant 0 : i32
      %dma_wait3A_96 = tpu.memref_slice %arg2[%dma_wait3A_95] : memref<100000xf32, #tpu.memory_space<hbm>> -> memref<2000xf32, #tpu.memory_space<hbm>>
      tpu.wait_dma2 semaphore(%arg16 : memref<!tpu.dma_semaphore, #tpu.memory_space<semaphore_mem>>) src(%dma_wait3A_96 : memref<2000xf32, #tpu.memory_space<hbm>>) dst(%dma_wait3A_94 : memref<2000xf32, #tpu.memory_space<vmem>>)
      %dma_wait3A_97 = arith.constant 0 : i32
      %dma_wait3A_98 = tpu.memref_slice %arg9[%dma_wait3A_97] : memref<8000xf32, #tpu.memory_space<vmem>> -> memref<2000xf32, #tpu.memory_space<vmem>>
      %dma_wait3A_99 = arith.constant 0 : i32
      %dma_wait3A_100 = tpu.memref_slice %arg2[%dma_wait3A_99] : memref<100000xf32, #tpu.memory_space<hbm>> -> memref<2000xf32, #tpu.memory_space<hbm>>
      %dma_wait3A_101 = arith.constant 0 : i32
      %dma_wait3A_102 = tpu.memref_slice %arg9[%dma_wait3A_101] : memref<8000xf32, #tpu.memory_space<vmem>> -> memref<2000xf32, #tpu.memory_space<vmem>>
      %dma_wait3A_103 = arith.constant 0 : i32
      %dma_wait3A_104 = tpu.memref_slice %arg2[%dma_wait3A_103] : memref<100000xf32, #tpu.memory_space<hbm>> -> memref<2000xf32, #tpu.memory_space<hbm>>
      tpu.wait_dma2 semaphore(%arg16 : memref<!tpu.dma_semaphore, #tpu.memory_space<semaphore_mem>>) src(%dma_wait3A_104 : memref<2000xf32, #tpu.memory_space<hbm>>) dst(%dma_wait3A_102 : memref<2000xf32, #tpu.memory_space<vmem>>)
      %dma_wait3A_105 = arith.constant 0 : i32
      %dma_wait3A_106 = tpu.memref_slice %arg9[%dma_wait3A_105] : memref<8000xf32, #tpu.memory_space<vmem>> -> memref<2000xf32, #tpu.memory_space<vmem>>
      %dma_wait3A_107 = arith.constant 0 : i32
      %dma_wait3A_108 = tpu.memref_slice %arg2[%dma_wait3A_107] : memref<100000xf32, #tpu.memory_space<hbm>> -> memref<2000xf32, #tpu.memory_space<hbm>>
      %dma_wait3A_109 = arith.constant 0 : i32
      %dma_wait3A_110 = tpu.memref_slice %arg9[%dma_wait3A_109] : memref<8000xf32, #tpu.memory_space<vmem>> -> memref<2000xf32, #tpu.memory_space<vmem>>
      %dma_wait3A_111 = arith.constant 0 : i32
      %dma_wait3A_112 = tpu.memref_slice %arg2[%dma_wait3A_111] : memref<100000xf32, #tpu.memory_space<hbm>> -> memref<2000xf32, #tpu.memory_space<hbm>>
      tpu.wait_dma2 semaphore(%arg16 : memref<!tpu.dma_semaphore, #tpu.memory_space<semaphore_mem>>) src(%dma_wait3A_112 : memref<2000xf32, #tpu.memory_space<hbm>>) dst(%dma_wait3A_110 : memref<2000xf32, #tpu.memory_space<vmem>>)
      %dma_wait3A_113 = arith.constant 0 : i32
      %dma_wait3A_114 = tpu.memref_slice %arg6[%dma_wait3A_113] : memref<100000xi32, #tpu.memory_space<hbm>> -> memref<2000xi32, #tpu.memory_space<hbm>>
      %dma_wait3A_115 = arith.constant 0 : i32
      %dma_wait3A_116 = tpu.memref_slice %arg6[%dma_wait3A_115] : memref<100000xi32, #tpu.memory_space<hbm>> -> memref<2000xi32, #tpu.memory_space<hbm>>
      tpu.wait_dma2 semaphore(%arg16 : memref<!tpu.dma_semaphore, #tpu.memory_space<semaphore_mem>>) src(%dma_wait3A_116 : memref<2000xi32, #tpu.memory_space<hbm>>) dst(%arg11 : memref<2000xi32, #tpu.memory_space<vmem>>)
      %ge3A = arith.constant 1 : i32
      %ge3A_117 = arith.cmpi sge, %scan3A_40, %ge3A : i32
      %convert_element_type3A_118 = arith.extui %ge3A_117 : i1 to i32
      %cond3A_119 = arith.constant 0 : i32
      %cond3A_120 = arith.cmpi ne, %convert_element_type3A_118, %cond3A_119 : i32
      scf.if %cond3A_120 {
        %dma_wait3A_133 = arith.constant 0 : i32
        %dma_wait3A_134 = tpu.memref_slice %arg8[%dma_wait3A_133] : memref<100000xf32, #tpu.memory_space<hbm>> -> memref<2000xf32, #tpu.memory_space<hbm>>
        %dma_wait3A_135 = arith.constant 0 : i32
        %dma_wait3A_136 = tpu.memref_slice %arg8[%dma_wait3A_135] : memref<100000xf32, #tpu.memory_space<hbm>> -> memref<2000xf32, #tpu.memory_space<hbm>>
        tpu.wait_dma2 semaphore(%arg18 : memref<!tpu.dma_semaphore, #tpu.memory_space<semaphore_mem>>) src(%arg13 : memref<2000xf32, #tpu.memory_space<vmem>>) dst(%dma_wait3A_136 : memref<2000xf32, #tpu.memory_space<hbm>>)
      } else {
      }
      %get3A = arith.constant 0 : index
      %get3A_121 = tpu.vector_load %arg15[%get3A] {strides = array<i32>} : memref<16xf32, #tpu.memory_space<vmem>>, vector<16xf32>,
      %parallel_loop3A = arith.constant 0 : i32
      %parallel_loop3A_122 = arith.constant 125 : i32
      %parallel_loop3A_123 = arith.constant 1 : i32
      scf.for %parallel_loop3A_133 = %parallel_loop3A to %parallel_loop3A_122 step %parallel_loop3A_123  : i32 {
        %parallel_loop3A_134 = arith.constant 16 : i32
        %parallel_loop3A_135 = arith.muli %parallel_loop3A_133, %parallel_loop3A_134 : i32
        %parallel_loop3A_136 = arith.index_cast %parallel_loop3A_135 : i32 to index
        %parallel_loop3A_137 = tpu.vector_load %arg11[%parallel_loop3A_136] {strides = array<i32>} : memref<2000xi32, #tpu.memory_space<vmem>>, vector<16xi32>,
        %parallel_loop3A_138 = arith.constant 16 : i32
        %parallel_loop3A_139 = arith.muli %parallel_loop3A_133, %parallel_loop3A_138 : i32
        %parallel_loop3A_140 = arith.constant 0 : i32
        %parallel_loop3A_141 = arith.addi %parallel_loop3A_140, %parallel_loop3A_139 : i32
        %parallel_loop3A_142 = arith.index_cast %parallel_loop3A_141 : i32 to index
        %parallel_loop3A_143 = tpu.vector_load %arg9[%parallel_loop3A_142] {strides = array<i32>} : memref<8000xf32, #tpu.memory_space<vmem>>, vector<16xf32>,
        %parallel_loop3A_144 = arith.constant 16 : i32
        %parallel_loop3A_145 = arith.muli %parallel_loop3A_133, %parallel_loop3A_144 : i32
        %parallel_loop3A_146 = arith.constant 2000 : i32
        %parallel_loop3A_147 = arith.addi %parallel_loop3A_146, %parallel_loop3A_145 : i32
        %parallel_loop3A_148 = arith.index_cast %parallel_loop3A_147 : i32 to index
        %parallel_loop3A_149 = tpu.vector_load %arg9[%parallel_loop3A_148] {strides = array<i32>} : memref<8000xf32, #tpu.memory_space<vmem>>, vector<16xf32>,
        %parallel_loop3A_150 = arith.constant 16 : i32
        %parallel_loop3A_151 = arith.muli %parallel_loop3A_133, %parallel_loop3A_150 : i32
        %parallel_loop3A_152 = arith.constant 4000 : i32
        %parallel_loop3A_153 = arith.addi %parallel_loop3A_152, %parallel_loop3A_151 : i32
        %parallel_loop3A_154 = arith.index_cast %parallel_loop3A_153 : i32 to index
        %parallel_loop3A_155 = tpu.vector_load %arg9[%parallel_loop3A_154] {strides = array<i32>} : memref<8000xf32, #tpu.memory_space<vmem>>, vector<16xf32>,
        %parallel_loop3A_156 = arith.constant 16 : i32
        %parallel_loop3A_157 = arith.muli %parallel_loop3A_133, %parallel_loop3A_156 : i32
        %parallel_loop3A_158 = arith.constant 6000 : i32
        %parallel_loop3A_159 = arith.addi %parallel_loop3A_158, %parallel_loop3A_157 : i32
        %parallel_loop3A_160 = arith.index_cast %parallel_loop3A_159 : i32 to index
        %parallel_loop3A_161 = tpu.vector_load %arg9[%parallel_loop3A_160] {strides = array<i32>} : memref<8000xf32, #tpu.memory_space<vmem>>, vector<16xf32>,
        %parallel_loop3A_162 = arith.constant 0 : i32
        %parallel_loop3A_163 = vector.broadcast %parallel_loop3A_162 : i32 to vector<16xi32>
        %parallel_loop3A_164 = arith.cmpi eq, %parallel_loop3A_137, %parallel_loop3A_163 : vector<16xi32>
        %parallel_loop3A_165 = arith.constant 1 : i32
        %parallel_loop3A_166 = vector.broadcast %parallel_loop3A_165 : i32 to vector<16xi32>
        %parallel_loop3A_167 = arith.cmpi eq, %parallel_loop3A_137, %parallel_loop3A_166 : vector<16xi32>
        %parallel_loop3A_168 = arith.constant 2 : i32
        %parallel_loop3A_169 = vector.broadcast %parallel_loop3A_168 : i32 to vector<16xi32>
        %parallel_loop3A_170 = arith.cmpi eq, %parallel_loop3A_137, %parallel_loop3A_169 : vector<16xi32>
        %parallel_loop3A_171 = arith.select %parallel_loop3A_170, %parallel_loop3A_155, %parallel_loop3A_161 : vector<16xi1>, vector<16xf32>
        %parallel_loop3A_172 = arith.select %parallel_loop3A_167, %parallel_loop3A_149, %parallel_loop3A_171 : vector<16xi1>, vector<16xf32>
        %parallel_loop3A_173 = arith.select %parallel_loop3A_164, %parallel_loop3A_143, %parallel_loop3A_172 : vector<16xi1>, vector<16xf32>
        %parallel_loop3A_174 = arith.addf %parallel_loop3A_173, %get3A_121 : vector<16xf32>
        %parallel_loop3A_175 = arith.constant 16 : i32
        %parallel_loop3A_176 = arith.muli %parallel_loop3A_133, %parallel_loop3A_175 : i32
        %parallel_loop3A_177 = arith.index_cast %parallel_loop3A_176 : i32 to index
        %parallel_loop3A_178 = tpu.vector_load %arg13[%parallel_loop3A_177] {strides = array<i32>} : memref<2000xf32, #tpu.memory_space<vmem>>, vector<16xf32>,
        tpu.vector_store %arg13[%parallel_loop3A_177], %parallel_loop3A_174 {strides = array<i32>} : memref<2000xf32, #tpu.memory_space<vmem>>, vector<16xf32>,
      } {sc.loop_unroll_factor = 4 : i64, sc.parallel_access}
      %mul3A_124 = arith.constant 2000 : i32
      %mul3A_125 = arith.muli %add3A_47, %mul3A_124 : i32
      %dma_start3A_126 = tpu.memref_slice %arg8[%mul3A_125] : memref<100000xf32, #tpu.memory_space<hbm>> -> memref<2000xf32, #tpu.memory_space<hbm>>
      %dma_start3A_127 = tpu.memref_slice %arg8[%mul3A_125] : memref<100000xf32, #tpu.memory_space<hbm>> -> memref<2000xf32, #tpu.memory_space<hbm>>
      tpu.enqueue_dma source(%arg13 : memref<2000xf32, #tpu.memory_space<vmem>>) target(%dma_start3A_127 : memref<2000xf32, #tpu.memory_space<hbm>>) target_semaphore(%arg18 : memref<!tpu.dma_semaphore, #tpu.memory_space<semaphore_mem>>)
      %lt3A_128 = arith.constant 50 : i32
      %lt3A_129 = arith.cmpi slt, %add3A_49, %lt3A_128 : i32
      %convert_element_type3A_130 = arith.extui %lt3A_129 : i1 to i32
      %cond3A_131 = arith.constant 0 : i32
      %cond3A_132 = arith.cmpi ne, %convert_element_type3A_130, %cond3A_131 : i32
      scf.if %cond3A_132 {
        %mul3A_133 = arith.constant 2000 : i32
        %mul3A_134 = arith.muli %add3A_49, %mul3A_133 : i32
        %dma_start3A_135 = arith.constant 0 : i32
        %dma_start3A_136 = tpu.memref_slice %arg9[%dma_start3A_135] : memref<8000xf32, #tpu.memory_space<vmem>> -> memref<2000xf32, #tpu.memory_space<vmem>>
        %dma_start3A_137 = tpu.memref_slice %arg2[%mul3A_134] : memref<100000xf32, #tpu.memory_space<hbm>> -> memref<2000xf32, #tpu.memory_space<hbm>>
        %dma_start3A_138 = arith.constant 0 : i32
        %dma_start3A_139 = tpu.memref_slice %arg9[%dma_start3A_138] : memref<8000xf32, #tpu.memory_space<vmem>> -> memref<2000xf32, #tpu.memory_space<vmem>>
        %dma_start3A_140 = tpu.memref_slice %arg2[%mul3A_134] : memref<100000xf32, #tpu.memory_space<hbm>> -> memref<2000xf32, #tpu.memory_space<hbm>>
        tpu.enqueue_dma source(%dma_start3A_140 : memref<2000xf32, #tpu.memory_space<hbm>>) target(%dma_start3A_139 : memref<2000xf32, #tpu.memory_space<vmem>>) target_semaphore(%arg16 : memref<!tpu.dma_semaphore, #tpu.memory_space<semaphore_mem>>)
        %mul3A_141 = arith.constant 2000 : i32
        %mul3A_142 = arith.muli %add3A_49, %mul3A_141 : i32
        %dma_start3A_143 = arith.constant 2000 : i32
        %dma_start3A_144 = tpu.memref_slice %arg9[%dma_start3A_143] : memref<8000xf32, #tpu.memory_space<vmem>> -> memref<2000xf32, #tpu.memory_space<vmem>>
        %dma_start3A_145 = tpu.memref_slice %arg3[%mul3A_142] : memref<100000xf32, #tpu.memory_space<hbm>> -> memref<2000xf32, #tpu.memory_space<hbm>>
        %dma_start3A_146 = arith.constant 2000 : i32
        %dma_start3A_147 = tpu.memref_slice %arg9[%dma_start3A_146] : memref<8000xf32, #tpu.memory_space<vmem>> -> memref<2000xf32, #tpu.memory_space<vmem>>
        %dma_start3A_148 = tpu.memref_slice %arg3[%mul3A_142] : memref<100000xf32, #tpu.memory_space<hbm>> -> memref<2000xf32, #tpu.memory_space<hbm>>
        tpu.enqueue_dma source(%dma_start3A_148 : memref<2000xf32, #tpu.memory_space<hbm>>) target(%dma_start3A_147 : memref<2000xf32, #tpu.memory_space<vmem>>) target_semaphore(%arg16 : memref<!tpu.dma_semaphore, #tpu.memory_space<semaphore_mem>>)
        %mul3A_149 = arith.constant 2000 : i32
        %mul3A_150 = arith.muli %add3A_49, %mul3A_149 : i32
        %dma_start3A_151 = arith.constant 4000 : i32
        %dma_start3A_152 = tpu.memref_slice %arg9[%dma_start3A_151] : memref<8000xf32, #tpu.memory_space<vmem>> -> memref<2000xf32, #tpu.memory_space<vmem>>
        %dma_start3A_153 = tpu.memref_slice %arg4[%mul3A_150] : memref<100000xf32, #tpu.memory_space<hbm>> -> memref<2000xf32, #tpu.memory_space<hbm>>
        %dma_start3A_154 = arith.constant 4000 : i32
        %dma_start3A_155 = tpu.memref_slice %arg9[%dma_start3A_154] : memref<8000xf32, #tpu.memory_space<vmem>> -> memref<2000xf32, #tpu.memory_space<vmem>>
        %dma_start3A_156 = tpu.memref_slice %arg4[%mul3A_150] : memref<100000xf32, #tpu.memory_space<hbm>> -> memref<2000xf32, #tpu.memory_space<hbm>>
        tpu.enqueue_dma source(%dma_start3A_156 : memref<2000xf32, #tpu.memory_space<hbm>>) target(%dma_start3A_155 : memref<2000xf32, #tpu.memory_space<vmem>>) target_semaphore(%arg16 : memref<!tpu.dma_semaphore, #tpu.memory_space<semaphore_mem>>)
        %mul3A_157 = arith.constant 2000 : i32
        %mul3A_158 = arith.muli %add3A_49, %mul3A_157 : i32
        %dma_start3A_159 = arith.constant 6000 : i32
        %dma_start3A_160 = tpu.memref_slice %arg9[%dma_start3A_159] : memref<8000xf32, #tpu.memory_space<vmem>> -> memref<2000xf32, #tpu.memory_space<vmem>>
        %dma_start3A_161 = tpu.memref_slice %arg5[%mul3A_158] : memref<100000xf32, #tpu.memory_space<hbm>> -> memref<2000xf32, #tpu.memory_space<hbm>>
        %dma_start3A_162 = arith.constant 6000 : i32
        %dma_start3A_163 = tpu.memref_slice %arg9[%dma_start3A_162] : memref<8000xf32, #tpu.memory_space<vmem>> -> memref<2000xf32, #tpu.memory_space<vmem>>
        %dma_start3A_164 = tpu.memref_slice %arg5[%mul3A_158] : memref<100000xf32, #tpu.memory_space<hbm>> -> memref<2000xf32, #tpu.memory_space<hbm>>
        tpu.enqueue_dma source(%dma_start3A_164 : memref<2000xf32, #tpu.memory_space<hbm>>) target(%dma_start3A_163 : memref<2000xf32, #tpu.memory_space<vmem>>) target_semaphore(%arg16 : memref<!tpu.dma_semaphore, #tpu.memory_space<semaphore_mem>>)
        %mul3A_165 = arith.constant 2000 : i32
        %mul3A_166 = arith.muli %add3A_49, %mul3A_165 : i32
        %dma_start3A_167 = tpu.memref_slice %arg6[%mul3A_166] : memref<100000xi32, #tpu.memory_space<hbm>> -> memref<2000xi32, #tpu.memory_space<hbm>>
        %dma_start3A_168 = tpu.memref_slice %arg6[%mul3A_166] : memref<100000xi32, #tpu.memory_space<hbm>> -> memref<2000xi32, #tpu.memory_space<hbm>>
        tpu.enqueue_dma source(%dma_start3A_168 : memref<2000xi32, #tpu.memory_space<hbm>>) target(%arg11 : memref<2000xi32, #tpu.memory_space<vmem>>) target_semaphore(%arg16 : memref<!tpu.dma_semaphore, #tpu.memory_space<semaphore_mem>>)
      } else {
      }
    } else {
    }
    %mul3A_55 = arith.constant 2 : i32
    %mul3A_56 = arith.muli %mul3A_55, %scan3A_40 : i32
    %add3A_57 = arith.constant 1 : i32
    %add3A_58 = arith.addi %mul3A_56, %add3A_57 : i32
    %mul3A_59 = arith.constant 32 : i32
    %mul3A_60 = arith.muli %add3A_58, %mul3A_59 : i32
    %add3A_61 = arith.addi %mul3A_60, %add3A : i32
    %add3A_62 = arith.constant 64 : i32
    %add3A_63 = arith.addi %add3A_61, %add3A_62 : i32
    %lt3A_64 = arith.constant 50 : i32
    %lt3A_65 = arith.cmpi slt, %add3A_61, %lt3A_64 : i32
    %convert_element_type3A_66 = arith.extui %lt3A_65 : i1 to i32
    %cond3A_67 = arith.constant 0 : i32
    %cond3A_68 = arith.cmpi ne, %convert_element_type3A_66, %cond3A_67 : i32
    scf.if %cond3A_68 {
      %dma_wait3A_81 = arith.constant 0 : i32
      %dma_wait3A_82 = tpu.memref_slice %arg10[%dma_wait3A_81] : memref<8000xf32, #tpu.memory_space<vmem>> -> memref<2000xf32, #tpu.memory_space<vmem>>
      %dma_wait3A_83 = arith.constant 0 : i32
      %dma_wait3A_84 = tpu.memref_slice %arg2[%dma_wait3A_83] : memref<100000xf32, #tpu.memory_space<hbm>> -> memref<2000xf32, #tpu.memory_space<hbm>>
      %dma_wait3A_85 = arith.constant 0 : i32
      %dma_wait3A_86 = tpu.memref_slice %arg10[%dma_wait3A_85] : memref<8000xf32, #tpu.memory_space<vmem>> -> memref<2000xf32, #tpu.memory_space<vmem>>
      %dma_wait3A_87 = arith.constant 0 : i32
      %dma_wait3A_88 = tpu.memref_slice %arg2[%dma_wait3A_87] : memref<100000xf32, #tpu.memory_space<hbm>> -> memref<2000xf32, #tpu.memory_space<hbm>>
      tpu.wait_dma2 semaphore(%arg17 : memref<!tpu.dma_semaphore, #tpu.memory_space<semaphore_mem>>) src(%dma_wait3A_88 : memref<2000xf32, #tpu.memory_space<hbm>>) dst(%dma_wait3A_86 : memref<2000xf32, #tpu.memory_space<vmem>>)
      %dma_wait3A_89 = arith.constant 0 : i32
      %dma_wait3A_90 = tpu.memref_slice %arg10[%dma_wait3A_89] : memref<8000xf32, #tpu.memory_space<vmem>> -> memref<2000xf32, #tpu.memory_space<vmem>>
      %dma_wait3A_91 = arith.constant 0 : i32
      %dma_wait3A_92 = tpu.memref_slice %arg2[%dma_wait3A_91] : memref<100000xf32, #tpu.memory_space<hbm>> -> memref<2000xf32, #tpu.memory_space<hbm>>
      %dma_wait3A_93 = arith.constant 0 : i32
      %dma_wait3A_94 = tpu.memref_slice %arg10[%dma_wait3A_93] : memref<8000xf32, #tpu.memory_space<vmem>> -> memref<2000xf32, #tpu.memory_space<vmem>>
      %dma_wait3A_95 = arith.constant 0 : i32
      %dma_wait3A_96 = tpu.memref_slice %arg2[%dma_wait3A_95] : memref<100000xf32, #tpu.memory_space<hbm>> -> memref<2000xf32, #tpu.memory_space<hbm>>
      tpu.wait_dma2 semaphore(%arg17 : memref<!tpu.dma_semaphore, #tpu.memory_space<semaphore_mem>>) src(%dma_wait3A_96 : memref<2000xf32, #tpu.memory_space<hbm>>) dst(%dma_wait3A_94 : memref<2000xf32, #tpu.memory_space<vmem>>)
      %dma_wait3A_97 = arith.constant 0 : i32
      %dma_wait3A_98 = tpu.memref_slice %arg10[%dma_wait3A_97] : memref<8000xf32, #tpu.memory_space<vmem>> -> memref<2000xf32, #tpu.memory_space<vmem>>
      %dma_wait3A_99 = arith.constant 0 : i32
      %dma_wait3A_100 = tpu.memref_slice %arg2[%dma_wait3A_99] : memref<100000xf32, #tpu.memory_space<hbm>> -> memref<2000xf32, #tpu.memory_space<hbm>>
      %dma_wait3A_101 = arith.constant 0 : i32
      %dma_wait3A_102 = tpu.memref_slice %arg10[%dma_wait3A_101] : memref<8000xf32, #tpu.memory_space<vmem>> -> memref<2000xf32, #tpu.memory_space<vmem>>
      %dma_wait3A_103 = arith.constant 0 : i32
      %dma_wait3A_104 = tpu.memref_slice %arg2[%dma_wait3A_103] : memref<100000xf32, #tpu.memory_space<hbm>> -> memref<2000xf32, #tpu.memory_space<hbm>>
      tpu.wait_dma2 semaphore(%arg17 : memref<!tpu.dma_semaphore, #tpu.memory_space<semaphore_mem>>) src(%dma_wait3A_104 : memref<2000xf32, #tpu.memory_space<hbm>>) dst(%dma_wait3A_102 : memref<2000xf32, #tpu.memory_space<vmem>>)
      %dma_wait3A_105 = arith.constant 0 : i32
      %dma_wait3A_106 = tpu.memref_slice %arg10[%dma_wait3A_105] : memref<8000xf32, #tpu.memory_space<vmem>> -> memref<2000xf32, #tpu.memory_space<vmem>>
      %dma_wait3A_107 = arith.constant 0 : i32
      %dma_wait3A_108 = tpu.memref_slice %arg2[%dma_wait3A_107] : memref<100000xf32, #tpu.memory_space<hbm>> -> memref<2000xf32, #tpu.memory_space<hbm>>
      %dma_wait3A_109 = arith.constant 0 : i32
      %dma_wait3A_110 = tpu.memref_slice %arg10[%dma_wait3A_109] : memref<8000xf32, #tpu.memory_space<vmem>> -> memref<2000xf32, #tpu.memory_space<vmem>>
      %dma_wait3A_111 = arith.constant 0 : i32
      %dma_wait3A_112 = tpu.memref_slice %arg2[%dma_wait3A_111] : memref<100000xf32, #tpu.memory_space<hbm>> -> memref<2000xf32, #tpu.memory_space<hbm>>
      tpu.wait_dma2 semaphore(%arg17 : memref<!tpu.dma_semaphore, #tpu.memory_space<semaphore_mem>>) src(%dma_wait3A_112 : memref<2000xf32, #tpu.memory_space<hbm>>) dst(%dma_wait3A_110 : memref<2000xf32, #tpu.memory_space<vmem>>)
      %dma_wait3A_113 = arith.constant 0 : i32
      %dma_wait3A_114 = tpu.memref_slice %arg6[%dma_wait3A_113] : memref<100000xi32, #tpu.memory_space<hbm>> -> memref<2000xi32, #tpu.memory_space<hbm>>
      %dma_wait3A_115 = arith.constant 0 : i32
      %dma_wait3A_116 = tpu.memref_slice %arg6[%dma_wait3A_115] : memref<100000xi32, #tpu.memory_space<hbm>> -> memref<2000xi32, #tpu.memory_space<hbm>>
      tpu.wait_dma2 semaphore(%arg17 : memref<!tpu.dma_semaphore, #tpu.memory_space<semaphore_mem>>) src(%dma_wait3A_116 : memref<2000xi32, #tpu.memory_space<hbm>>) dst(%arg12 : memref<2000xi32, #tpu.memory_space<vmem>>)
      %ge3A = arith.constant 1 : i32
      %ge3A_117 = arith.cmpi sge, %scan3A_40, %ge3A : i32
      %convert_element_type3A_118 = arith.extui %ge3A_117 : i1 to i32
      %cond3A_119 = arith.constant 0 : i32
      %cond3A_120 = arith.cmpi ne, %convert_element_type3A_118, %cond3A_119 : i32
      scf.if %cond3A_120 {
        %dma_wait3A_133 = arith.constant 0 : i32
        %dma_wait3A_134 = tpu.memref_slice %arg8[%dma_wait3A_133] : memref<100000xf32, #tpu.memory_space<hbm>> -> memref<2000xf32, #tpu.memory_space<hbm>>
        %dma_wait3A_135 = arith.constant 0 : i32
        %dma_wait3A_136 = tpu.memref_slice %arg8[%dma_wait3A_135] : memref<100000xf32, #tpu.memory_space<hbm>> -> memref<2000xf32, #tpu.memory_space<hbm>>
        tpu.wait_dma2 semaphore(%arg19 : memref<!tpu.dma_semaphore, #tpu.memory_space<semaphore_mem>>) src(%arg14 : memref<2000xf32, #tpu.memory_space<vmem>>) dst(%dma_wait3A_136 : memref<2000xf32, #tpu.memory_space<hbm>>)
      } else {
      }
      %get3A = arith.constant 0 : index
      %get3A_121 = tpu.vector_load %arg15[%get3A] {strides = array<i32>} : memref<16xf32, #tpu.memory_space<vmem>>, vector<16xf32>,
      %parallel_loop3A = arith.constant 0 : i32
      %parallel_loop3A_122 = arith.constant 125 : i32
      %parallel_loop3A_123 = arith.constant 1 : i32
      scf.for %parallel_loop3A_133 = %parallel_loop3A to %parallel_loop3A_122 step %parallel_loop3A_123  : i32 {
        %parallel_loop3A_134 = arith.constant 16 : i32
        %parallel_loop3A_135 = arith.muli %parallel_loop3A_133, %parallel_loop3A_134 : i32
        %parallel_loop3A_136 = arith.index_cast %parallel_loop3A_135 : i32 to index
        %parallel_loop3A_137 = tpu.vector_load %arg12[%parallel_loop3A_136] {strides = array<i32>} : memref<2000xi32, #tpu.memory_space<vmem>>, vector<16xi32>,
        %parallel_loop3A_138 = arith.constant 16 : i32
        %parallel_loop3A_139 = arith.muli %parallel_loop3A_133, %parallel_loop3A_138 : i32
        %parallel_loop3A_140 = arith.constant 0 : i32
        %parallel_loop3A_141 = arith.addi %parallel_loop3A_140, %parallel_loop3A_139 : i32
        %parallel_loop3A_142 = arith.index_cast %parallel_loop3A_141 : i32 to index
        %parallel_loop3A_143 = tpu.vector_load %arg10[%parallel_loop3A_142] {strides = array<i32>} : memref<8000xf32, #tpu.memory_space<vmem>>, vector<16xf32>,
        %parallel_loop3A_144 = arith.constant 16 : i32
        %parallel_loop3A_145 = arith.muli %parallel_loop3A_133, %parallel_loop3A_144 : i32
        %parallel_loop3A_146 = arith.constant 2000 : i32
        %parallel_loop3A_147 = arith.addi %parallel_loop3A_146, %parallel_loop3A_145 : i32
        %parallel_loop3A_148 = arith.index_cast %parallel_loop3A_147 : i32 to index
        %parallel_loop3A_149 = tpu.vector_load %arg10[%parallel_loop3A_148] {strides = array<i32>} : memref<8000xf32, #tpu.memory_space<vmem>>, vector<16xf32>,
        %parallel_loop3A_150 = arith.constant 16 : i32
        %parallel_loop3A_151 = arith.muli %parallel_loop3A_133, %parallel_loop3A_150 : i32
        %parallel_loop3A_152 = arith.constant 4000 : i32
        %parallel_loop3A_153 = arith.addi %parallel_loop3A_152, %parallel_loop3A_151 : i32
        %parallel_loop3A_154 = arith.index_cast %parallel_loop3A_153 : i32 to index
        %parallel_loop3A_155 = tpu.vector_load %arg10[%parallel_loop3A_154] {strides = array<i32>} : memref<8000xf32, #tpu.memory_space<vmem>>, vector<16xf32>,
        %parallel_loop3A_156 = arith.constant 16 : i32
        %parallel_loop3A_157 = arith.muli %parallel_loop3A_133, %parallel_loop3A_156 : i32
        %parallel_loop3A_158 = arith.constant 6000 : i32
        %parallel_loop3A_159 = arith.addi %parallel_loop3A_158, %parallel_loop3A_157 : i32
        %parallel_loop3A_160 = arith.index_cast %parallel_loop3A_159 : i32 to index
        %parallel_loop3A_161 = tpu.vector_load %arg10[%parallel_loop3A_160] {strides = array<i32>} : memref<8000xf32, #tpu.memory_space<vmem>>, vector<16xf32>,
        %parallel_loop3A_162 = arith.constant 0 : i32
        %parallel_loop3A_163 = vector.broadcast %parallel_loop3A_162 : i32 to vector<16xi32>
        %parallel_loop3A_164 = arith.cmpi eq, %parallel_loop3A_137, %parallel_loop3A_163 : vector<16xi32>
        %parallel_loop3A_165 = arith.constant 1 : i32
        %parallel_loop3A_166 = vector.broadcast %parallel_loop3A_165 : i32 to vector<16xi32>
        %parallel_loop3A_167 = arith.cmpi eq, %parallel_loop3A_137, %parallel_loop3A_166 : vector<16xi32>
        %parallel_loop3A_168 = arith.constant 2 : i32
        %parallel_loop3A_169 = vector.broadcast %parallel_loop3A_168 : i32 to vector<16xi32>
        %parallel_loop3A_170 = arith.cmpi eq, %parallel_loop3A_137, %parallel_loop3A_169 : vector<16xi32>
        %parallel_loop3A_171 = arith.select %parallel_loop3A_170, %parallel_loop3A_155, %parallel_loop3A_161 : vector<16xi1>, vector<16xf32>
        %parallel_loop3A_172 = arith.select %parallel_loop3A_167, %parallel_loop3A_149, %parallel_loop3A_171 : vector<16xi1>, vector<16xf32>
        %parallel_loop3A_173 = arith.select %parallel_loop3A_164, %parallel_loop3A_143, %parallel_loop3A_172 : vector<16xi1>, vector<16xf32>
        %parallel_loop3A_174 = arith.addf %parallel_loop3A_173, %get3A_121 : vector<16xf32>
        %parallel_loop3A_175 = arith.constant 16 : i32
        %parallel_loop3A_176 = arith.muli %parallel_loop3A_133, %parallel_loop3A_175 : i32
        %parallel_loop3A_177 = arith.index_cast %parallel_loop3A_176 : i32 to index
        %parallel_loop3A_178 = tpu.vector_load %arg14[%parallel_loop3A_177] {strides = array<i32>} : memref<2000xf32, #tpu.memory_space<vmem>>, vector<16xf32>,
        tpu.vector_store %arg14[%parallel_loop3A_177], %parallel_loop3A_174 {strides = array<i32>} : memref<2000xf32, #tpu.memory_space<vmem>>, vector<16xf32>,
      } {sc.loop_unroll_factor = 4 : i64, sc.parallel_access}
      %mul3A_124 = arith.constant 2000 : i32
      %mul3A_125 = arith.muli %add3A_61, %mul3A_124 : i32
      %dma_start3A_126 = tpu.memref_slice %arg8[%mul3A_125] : memref<100000xf32, #tpu.memory_space<hbm>> -> memref<2000xf32, #tpu.memory_space<hbm>>
      %dma_start3A_127 = tpu.memref_slice %arg8[%mul3A_125] : memref<100000xf32, #tpu.memory_space<hbm>> -> memref<2000xf32, #tpu.memory_space<hbm>>
      tpu.enqueue_dma source(%arg14 : memref<2000xf32, #tpu.memory_space<vmem>>) target(%dma_start3A_127 : memref<2000xf32, #tpu.memory_space<hbm>>) target_semaphore(%arg19 : memref<!tpu.dma_semaphore, #tpu.memory_space<semaphore_mem>>)
      %lt3A_128 = arith.constant 50 : i32
      %lt3A_129 = arith.cmpi slt, %add3A_63, %lt3A_128 : i32
      %convert_element_type3A_130 = arith.extui %lt3A_129 : i1 to i32
      %cond3A_131 = arith.constant 0 : i32
      %cond3A_132 = arith.cmpi ne, %convert_element_type3A_130, %cond3A_131 : i32
      scf.if %cond3A_132 {
        %mul3A_133 = arith.constant 2000 : i32
        %mul3A_134 = arith.muli %add3A_63, %mul3A_133 : i32
        %dma_start3A_135 = arith.constant 0 : i32
        %dma_start3A_136 = tpu.memref_slice %arg10[%dma_start3A_135] : memref<8000xf32, #tpu.memory_space<vmem>> -> memref<2000xf32, #tpu.memory_space<vmem>>
        %dma_start3A_137 = tpu.memref_slice %arg2[%mul3A_134] : memref<100000xf32, #tpu.memory_space<hbm>> -> memref<2000xf32, #tpu.memory_space<hbm>>
        %dma_start3A_138 = arith.constant 0 : i32
        %dma_start3A_139 = tpu.memref_slice %arg10[%dma_start3A_138] : memref<8000xf32, #tpu.memory_space<vmem>> -> memref<2000xf32, #tpu.memory_space<vmem>>
        %dma_start3A_140 = tpu.memref_slice %arg2[%mul3A_134] : memref<100000xf32, #tpu.memory_space<hbm>> -> memref<2000xf32, #tpu.memory_space<hbm>>
        tpu.enqueue_dma source(%dma_start3A_140 : memref<2000xf32, #tpu.memory_space<hbm>>) target(%dma_start3A_139 : memref<2000xf32, #tpu.memory_space<vmem>>) target_semaphore(%arg17 : memref<!tpu.dma_semaphore, #tpu.memory_space<semaphore_mem>>)
        %mul3A_141 = arith.constant 2000 : i32
        %mul3A_142 = arith.muli %add3A_63, %mul3A_141 : i32
        %dma_start3A_143 = arith.constant 2000 : i32
        %dma_start3A_144 = tpu.memref_slice %arg10[%dma_start3A_143] : memref<8000xf32, #tpu.memory_space<vmem>> -> memref<2000xf32, #tpu.memory_space<vmem>>
        %dma_start3A_145 = tpu.memref_slice %arg3[%mul3A_142] : memref<100000xf32, #tpu.memory_space<hbm>> -> memref<2000xf32, #tpu.memory_space<hbm>>
        %dma_start3A_146 = arith.constant 2000 : i32
        %dma_start3A_147 = tpu.memref_slice %arg10[%dma_start3A_146] : memref<8000xf32, #tpu.memory_space<vmem>> -> memref<2000xf32, #tpu.memory_space<vmem>>
        %dma_start3A_148 = tpu.memref_slice %arg3[%mul3A_142] : memref<100000xf32, #tpu.memory_space<hbm>> -> memref<2000xf32, #tpu.memory_space<hbm>>
        tpu.enqueue_dma source(%dma_start3A_148 : memref<2000xf32, #tpu.memory_space<hbm>>) target(%dma_start3A_147 : memref<2000xf32, #tpu.memory_space<vmem>>) target_semaphore(%arg17 : memref<!tpu.dma_semaphore, #tpu.memory_space<semaphore_mem>>)
        %mul3A_149 = arith.constant 2000 : i32
        %mul3A_150 = arith.muli %add3A_63, %mul3A_149 : i32
        %dma_start3A_151 = arith.constant 4000 : i32
        %dma_start3A_152 = tpu.memref_slice %arg10[%dma_start3A_151] : memref<8000xf32, #tpu.memory_space<vmem>> -> memref<2000xf32, #tpu.memory_space<vmem>>
        %dma_start3A_153 = tpu.memref_slice %arg4[%mul3A_150] : memref<100000xf32, #tpu.memory_space<hbm>> -> memref<2000xf32, #tpu.memory_space<hbm>>
        %dma_start3A_154 = arith.constant 4000 : i32
        %dma_start3A_155 = tpu.memref_slice %arg10[%dma_start3A_154] : memref<8000xf32, #tpu.memory_space<vmem>> -> memref<2000xf32, #tpu.memory_space<vmem>>
        %dma_start3A_156 = tpu.memref_slice %arg4[%mul3A_150] : memref<100000xf32, #tpu.memory_space<hbm>> -> memref<2000xf32, #tpu.memory_space<hbm>>
        tpu.enqueue_dma source(%dma_start3A_156 : memref<2000xf32, #tpu.memory_space<hbm>>) target(%dma_start3A_155 : memref<2000xf32, #tpu.memory_space<vmem>>) target_semaphore(%arg17 : memref<!tpu.dma_semaphore, #tpu.memory_space<semaphore_mem>>)
        %mul3A_157 = arith.constant 2000 : i32
        %mul3A_158 = arith.muli %add3A_63, %mul3A_157 : i32
        %dma_start3A_159 = arith.constant 6000 : i32
        %dma_start3A_160 = tpu.memref_slice %arg10[%dma_start3A_159] : memref<8000xf32, #tpu.memory_space<vmem>> -> memref<2000xf32, #tpu.memory_space<vmem>>
        %dma_start3A_161 = tpu.memref_slice %arg5[%mul3A_158] : memref<100000xf32, #tpu.memory_space<hbm>> -> memref<2000xf32, #tpu.memory_space<hbm>>
        %dma_start3A_162 = arith.constant 6000 : i32
        %dma_start3A_163 = tpu.memref_slice %arg10[%dma_start3A_162] : memref<8000xf32, #tpu.memory_space<vmem>> -> memref<2000xf32, #tpu.memory_space<vmem>>
        %dma_start3A_164 = tpu.memref_slice %arg5[%mul3A_158] : memref<100000xf32, #tpu.memory_space<hbm>> -> memref<2000xf32, #tpu.memory_space<hbm>>
        tpu.enqueue_dma source(%dma_start3A_164 : memref<2000xf32, #tpu.memory_space<hbm>>) target(%dma_start3A_163 : memref<2000xf32, #tpu.memory_space<vmem>>) target_semaphore(%arg17 : memref<!tpu.dma_semaphore, #tpu.memory_space<semaphore_mem>>)
        %mul3A_165 = arith.constant 2000 : i32
        %mul3A_166 = arith.muli %add3A_63, %mul3A_165 : i32
        %dma_start3A_167 = tpu.memref_slice %arg6[%mul3A_166] : memref<100000xi32, #tpu.memory_space<hbm>> -> memref<2000xi32, #tpu.memory_space<hbm>>
        %dma_start3A_168 = tpu.memref_slice %arg6[%mul3A_166] : memref<100000xi32, #tpu.memory_space<hbm>> -> memref<2000xi32, #tpu.memory_space<hbm>>
        tpu.enqueue_dma source(%dma_start3A_168 : memref<2000xi32, #tpu.memory_space<hbm>>) target(%arg12 : memref<2000xi32, #tpu.memory_space<vmem>>) target_semaphore(%arg17 : memref<!tpu.dma_semaphore, #tpu.memory_space<semaphore_mem>>)
      } else {
      }
    } else {
    }
    %scan3A_69 = arith.constant 0 : i32
    %scan3A_70 = arith.constant 1 : i32
    %dma_wait3A = arith.constant 0 : i32
    %dma_wait3A_71 = tpu.memref_slice %arg8[%dma_wait3A] : memref<100000xf32, #tpu.memory_space<hbm>> -> memref<2000xf32, #tpu.memory_space<hbm>>
    %dma_wait3A_72 = arith.constant 0 : i32
    %dma_wait3A_73 = tpu.memref_slice %arg8[%dma_wait3A_72] : memref<100000xf32, #tpu.memory_space<hbm>> -> memref<2000xf32, #tpu.memory_space<hbm>>
    tpu.wait_dma2 semaphore(%arg18 : memref<!tpu.dma_semaphore, #tpu.memory_space<semaphore_mem>>) src(%arg13 : memref<2000xf32, #tpu.memory_space<vmem>>) dst(%dma_wait3A_73 : memref<2000xf32, #tpu.memory_space<hbm>>)
    %add3A_74 = arith.constant 32 : i32
    %add3A_75 = arith.addi %add3A_74, %add3A : i32
    %lt3A_76 = arith.constant 50 : i32
    %lt3A_77 = arith.cmpi slt, %add3A_75, %lt3A_76 : i32
    %convert_element_type3A_78 = arith.extui %lt3A_77 : i1 to i32
    %cond3A_79 = arith.constant 0 : i32
    %cond3A_80 = arith.cmpi ne, %convert_element_type3A_78, %cond3A_79 : i32
    scf.if %cond3A_80 {
      %dma_wait3A_81 = arith.constant 0 : i32
      %dma_wait3A_82 = tpu.memref_slice %arg8[%dma_wait3A_81] : memref<100000xf32, #tpu.memory_space<hbm>> -> memref<2000xf32, #tpu.memory_space<hbm>>
      %dma_wait3A_83 = arith.constant 0 : i32
      %dma_wait3A_84 = tpu.memref_slice %arg8[%dma_wait3A_83] : memref<100000xf32, #tpu.memory_space<hbm>> -> memref<2000xf32, #tpu.memory_space<hbm>>
      tpu.wait_dma2 semaphore(%arg19 : memref<!tpu.dma_semaphore, #tpu.memory_space<semaphore_mem>>) src(%arg14 : memref<2000xf32, #tpu.memory_space<vmem>>) dst(%dma_wait3A_84 : memref<2000xf32, #tpu.memory_space<hbm>>)
    } else {
    }
    return
  }
}

module attributes {stable_mosaic.version = 14 : i64} {
  func.func @_tc_body(%arg0: i32, %arg1: memref<4x128xf32, #tpu.memory_space<vmem>>, %arg2: memref<16384x128xf32, #tpu.memory_space<vmem>>, %arg3: memref<16384xf32, #tpu.memory_space<vmem>>, %arg4: memref<16384xf32, #tpu.memory_space<vmem>>, %arg5: memref<16384xf32, #tpu.memory_space<vmem>>, %arg6: memref<16384xf32, #tpu.memory_space<vmem>>) attributes {dimension_semantics = [#tpu.dimension_semantics<arbitrary>], iteration_bounds = array<i64: 7>, scalar_prefetch = 0 : i64, scratch_operands = 0 : i64, tpu.core_type = #tpu.core_type<tc>, window_params = [{pipeline_mode = #tpu.pipeline_mode<synchronous>, transform_indices = @transform_0, window_bounds = array<i64: 4, 128>}, {transform_indices = @transform_1, window_bounds = array<i64: 16384, 128>}, {transform_indices = @transform_2, window_bounds = array<i64: 16384>}, {transform_indices = @transform_3, window_bounds = array<i64: 16384>}, {transform_indices = @transform_4, window_bounds = array<i64: 16384>}, {transform_indices = @transform_5, window_bounds = array<i64: 16384>}]} {
    %get3A = arith.constant 0 : index
    %get3A_0 = arith.constant 0 : index
    %get3A_1 = vector.load %arg1[%get3A, %get3A_0] : memref<4x128xf32, #tpu.memory_space<vmem>>, vector<4x128xf32>
    %get3A_2 = arith.constant 0 : index
    %get3A_3 = arith.constant 0 : index
    %get3A_4 = vector.load %arg2[%get3A_2, %get3A_3] : memref<16384x128xf32, #tpu.memory_space<vmem>>, vector<16384x128xf32>
    %dot_general3A = arith.constant dense<0.000000e+00> : vector<4x16384xf32>
    %dot_general3A_5 = tpu.matmul %get3A_1, %get3A_4, %dot_general3A {dimension_numbers = #tpu.dot_dimension_numbers<[1], [1], [0], [0], [0, 0, 1, 0], [], []>, transpose_lhs_hint = false} : vector<4x128xf32>, vector<16384x128xf32>, vector<4x16384xf32> -> vector<4x16384xf32>
    %slice3A = vector.extract_strided_slice %dot_general3A_5 {offsets = [0, 0], sizes = [1, 16384], strides = [1, 1]} : vector<4x16384xf32> to vector<1x16384xf32>
    %squeeze3A = vector.shape_cast %slice3A : vector<1x16384xf32> to vector<16384xf32>
    %swap3A = arith.constant 0 : index
    %swap3A_6 = vector.load %arg3[%swap3A] : memref<16384xf32, #tpu.memory_space<vmem>>, vector<16384xf32>
    tpu.vector_store %arg3[%swap3A], %squeeze3A {strides = array<i32>} : memref<16384xf32, #tpu.memory_space<vmem>>, vector<16384xf32>,
    %slice3A_7 = vector.extract_strided_slice %dot_general3A_5 {offsets = [1, 0], sizes = [1, 16384], strides = [1, 1]} : vector<4x16384xf32> to vector<1x16384xf32>
    %squeeze3A_8 = vector.shape_cast %slice3A_7 : vector<1x16384xf32> to vector<16384xf32>
    %swap3A_9 = arith.constant 0 : index
    %swap3A_10 = vector.load %arg4[%swap3A_9] : memref<16384xf32, #tpu.memory_space<vmem>>, vector<16384xf32>
    tpu.vector_store %arg4[%swap3A_9], %squeeze3A_8 {strides = array<i32>} : memref<16384xf32, #tpu.memory_space<vmem>>, vector<16384xf32>,
    %slice3A_11 = vector.extract_strided_slice %dot_general3A_5 {offsets = [2, 0], sizes = [1, 16384], strides = [1, 1]} : vector<4x16384xf32> to vector<1x16384xf32>
    %squeeze3A_12 = vector.shape_cast %slice3A_11 : vector<1x16384xf32> to vector<16384xf32>
    %swap3A_13 = arith.constant 0 : index
    %swap3A_14 = vector.load %arg5[%swap3A_13] : memref<16384xf32, #tpu.memory_space<vmem>>, vector<16384xf32>
    tpu.vector_store %arg5[%swap3A_13], %squeeze3A_12 {strides = array<i32>} : memref<16384xf32, #tpu.memory_space<vmem>>, vector<16384xf32>,
    %slice3A_15 = vector.extract_strided_slice %dot_general3A_5 {offsets = [3, 0], sizes = [1, 16384], strides = [1, 1]} : vector<4x16384xf32> to vector<1x16384xf32>
    %squeeze3A_16 = vector.shape_cast %slice3A_15 : vector<1x16384xf32> to vector<16384xf32>
    %swap3A_17 = arith.constant 0 : index
    %swap3A_18 = vector.load %arg6[%swap3A_17] : memref<16384xf32, #tpu.memory_space<vmem>>, vector<16384xf32>
    tpu.vector_store %arg6[%swap3A_17], %squeeze3A_16 {strides = array<i32>} : memref<16384xf32, #tpu.memory_space<vmem>>, vector<16384xf32>,
    return
  }
  func.func @transform_0(%arg0: i32) -> (i32, i32) {
    %c0_i32 = arith.constant 0 : i32
    %c0_i32_0 = arith.constant 0 : i32
    %c0_i32_1 = arith.constant 0 : i32
    return %c0_i32, %c0_i32_0 : i32, i32
  }
  func.func @transform_1(%arg0: i32) -> (i32, i32) {
    %c0_i32 = arith.constant 0 : i32
    %c0_i32_0 = arith.constant 0 : i32
    return %arg0, %c0_i32 : i32, i32
  }
  func.func @transform_2(%arg0: i32) -> i32 {
    %c0_i32 = arith.constant 0 : i32
    return %arg0 : i32
  }
  func.func @transform_3(%arg0: i32) -> i32 {
    %c0_i32 = arith.constant 0 : i32
    return %arg0 : i32
  }
  func.func @transform_4(%arg0: i32) -> i32 {
    %c0_i32 = arith.constant 0 : i32
    return %arg0 : i32
  }
  func.func @transform_5(%arg0: i32) -> i32 {
    %c0_i32 = arith.constant 0 : i32
    return %arg0 : i32
  }
}

</mosaic_0001>

<sc_bundles>
// kernel: kernel.4.cloned.1.call-start
scs
__scs_entry_jumppad:
0x0: {  	(pc) =	sbr.rel $0x88, $3  }
0x1: {  	(tag) =	ssettag $0x0;
	lr =	simm.s32 $0x1  }
0x2: {  	[smem:$0x3F9D] =	sst lr;
	_ =	strace $0xD0000000  }
0x3: {  	_ = 	snop  }
0x4: {  	_ = 	snop  }
0x5: {  	_ = 	snop  }
0x6: {  	_ = 	snop  }
0x7: {  	_ = 	snop  }
__scs_overlays_trampoline_lowered:
0x8: {  	[smem:$0x3FAC] =	sst s0  }
0x9: {  	[smem:$0x3FAD] =	sst s1  }
0xa: {  	[smem:$0x3FAE] =	sst s2  }
0xb: {  	[smem:$0x3FAF] =	sst s3  }
0xc: {  	[smem:$0x3FB0] =	sst s4  }
0xd: {  	[smem:$0x3FB1] =	sst s5  }
0xe: {  	[smem:$0x3FB2] =	sst s6  }
0xf: {  	[smem:$0x3FB3] =	sst s7  }
0x10: {  	[smem:$0x3FB4] =	sst s8  }
0x11: {  	[smem:$0x3FB5] =	sst s9;
	s0 =	simm.s32 @!p0 $0x0  }
0x12: {  	s1 =	sld [smem:$0x3F9B];
	s0 =	simm.s32 @p0 $0x1  }
0x13: {  	[smem:$0x3FB6] =	sst s0;
	s0 =	simm.s32 @!p1 $0x0  }
0x14: {  	s2 =	sld [smem:$0x3F9A];
	s0 =	simm.s32 @p1 $0x1  }
0x15: {  	[smem:$0x3FB7] =	sst s0;
	s0 =	simm.s32 @!p2 $0x0  }
0x16: {  	s3 =	sld [smem:$0x3FDB];
	s0 =	simm.s32 @p2 $0x1  }
0x17: {  	s4 =	simm.s32 $0x1BF5;
	[smem:$0x3FB9] =	sst s0  }
0x18: {  	s0 =	sld [smem:$0x3F9C];
	_ =	swait.ge [sflag:s4], $0x0  }
0x19: {  	s7 =	sld [smem:$0x3F9D]  }
0x1a: {  	s8 =	sadd.s32 $0xFFFFE003, lr  }
0x1b: {  	s9 =	sadd.s32 $0xFFFFFEF7, lr;
	s5 =	simm.s32 $0xFFFFFFFF;
	p2 =	slt.u32 s8, $0xFFFFF086  }
0x1c: {  	p1 =	slt.u32 s9, $0xF7A;
	s5 =	simm.s32 @!p2 $0x0  }
0x1d: {  	s5 =	simm.s32 @p1 $0x1;
	p0 =	seq.s32 s7, s2  }
0x1e: {  	s7 =	smul.u32 @!p0 $0xF7A, s2;
	p2 =	seq.s32 @!p0 s5, $0x0  }
0x1f: {  	s9 =	smul.u32 $0xF7A, s1;
	s8 =	simm.s32 @!p0 $0x1BF5;
	p2 =	por !p2, p0  }
0x20: {  	[sflag:s8] =	ssyncset.s32 @!p0 $0xFFFFF086;
	s6 =	sadd.s32 @!p0 s3, s7;
	s7 =	simm.s32 @!p0 $0x108  }
0x21: {  	s3 =	sadd.s32 s3, s9;
	s6 =	sadd.s32 @!p0 $0x88, s6;
	s7 =	simm.s32 @p2 $0x1082  }
0x22: {  	[simem:s7], [sflag:s8] =	dma.local @!p0 [hbm:s6], $0xF7A  }
0x23: {  	s9 =	sor.u32 $0xD0000000, s2;
	s6 =	simm.s32 $0x108;
	_ =	swait.ge @!p0 [sflag:s8], $0x0  }
0x24: {  	s3 =	sadd.s32 $0x88, s3;
	s6 =	simm.s32 @!p1 $0x1082;
	[sflag:s4] =	ssyncset.s32 $0xFFFFF086  }
0x25: {  	[simem:s6], [sflag:s4] =	dma.local [hbm:s3], $0xF7A  }
0x26: {  	[smem:$0x3F9D] =	sst s1;
	(tag) =	ssettag s2;
	_ =	strace s9  }
0x27: {  	s1 =	sld [smem:$0x3FAD]  }
0x28: {  	s2 =	sld [smem:$0x3FAE]  }
0x29: {  	s4 =	sld [smem:$0x3FB0]  }
0x2a: {  	p0 =	seq.s32 s5, $0x0;
	s5 =	sld [smem:$0x3FB1]  }
0x2b: {  	s6 =	sld [smem:$0x3FB2]  }
0x2c: {  	s7 =	sld [smem:$0x3FB3]  }
0x2d: {  	s3 =	simm.s32 $0x108;
	s8 =	sld [smem:$0x3FB4]  }
0x2e: {  	s3 =	simm.s32 @!p0 $0x1082;
	s9 =	sld [smem:$0x3FB5]  }
0x2f: {  	lr =	sadd.s32 s0, s3;
	s0 =	sld [smem:$0x3FAC]  }
0x30: {  	s3 =	sld [smem:$0x3FAF]  }
0x31: {  	[smem:$0x3FB8] =	sst s10  }
0x32: {  	s10 =	sld [smem:$0x3FB6];
	_ =	sdelay $0x3  }
0x33: {  	p0 =	seq.s32 s10, $0x1;
	s10 =	sld [smem:$0x3FB8];
	_ =	sdelay $0x3  }
0x34: {  	[smem:$0x3FB8] =	sst s10  }
0x35: {  	s10 =	sld [smem:$0x3FB7];
	_ =	sdelay $0x3  }
0x36: {  	p1 =	seq.s32 s10, $0x1;
	s10 =	sld [smem:$0x3FB8];
	_ =	sdelay $0x3  }
0x37: {  	[smem:$0x3FB8] =	sst s10  }
0x38: {  	s10 =	sld [smem:$0x3FB9]  }
0x39: {  	_ = 	snop;
	(pc) =	sbr.ind lr, $3  }
0x3a: {  	_ = 	snop  }
0x3b: {  	_ = 	snop  }
0x3c: {  	p2 =	seq.s32 s10, $0x1;
	s10 =	sld [smem:$0x3FB8]  }
0x3d: {  	_ =	shalt  }
0x3e: {  	_ =	shalt  }
0x3f: {  	_ =	shalt  }
0x40: {  	_ =	shalt  }
0x41: {  	_ =	shalt  }
0x42: {  	_ =	shalt  }
0x43: {  	_ =	shalt  }
0x44: {  	_ =	shalt  }
0x45: {  	_ =	shalt  }
0x46: {  	_ =	shalt  }
0x47: {  	_ =	shalt  }
0x48: {  	_ =	shalt  }
0x49: {  	_ =	shalt  }
0x4a: {  	_ =	shalt  }
0x4b: {  	_ =	shalt  }
0x4c: {  	_ =	shalt  }
0x4d: {  	_ =	shalt  }
0x4e: {  	_ =	shalt  }
0x4f: {  	_ =	shalt  }
0x50: {  	_ =	shalt  }
0x51: {  	_ =	shalt  }
0x52: {  	_ =	shalt  }
0x53: {  	_ =	shalt  }
0x54: {  	_ =	shalt  }
0x55: {  	_ =	shalt  }
0x56: {  	_ =	shalt  }
0x57: {  	_ =	shalt  }
0x58: {  	_ =	shalt  }
0x59: {  	_ =	shalt  }
0x5a: {  	_ =	shalt  }
0x5b: {  	_ =	shalt  }
0x5c: {  	_ =	shalt  }
0x5d: {  	_ =	shalt  }
0x5e: {  	_ =	shalt  }
0x5f: {  	_ =	shalt  }
0x60: {  	_ =	shalt  }
0x61: {  	_ =	shalt  }
0x62: {  	_ =	shalt  }
0x63: {  	_ =	shalt  }
0x64: {  	_ =	shalt  }
0x65: {  	_ =	shalt  }
0x66: {  	_ =	shalt  }
0x67: {  	_ =	shalt  }
0x68: {  	_ =	shalt  }
0x69: {  	_ =	shalt  }
0x6a: {  	_ =	shalt  }
0x6b: {  	_ =	shalt  }
0x6c: {  	_ =	shalt  }
0x6d: {  	_ =	shalt  }
0x6e: {  	_ =	shalt  }
0x6f: {  	_ =	shalt  }
0x70: {  	_ =	shalt  }
0x71: {  	_ =	shalt  }
0x72: {  	_ =	shalt  }
0x73: {  	_ =	shalt  }
0x74: {  	_ =	shalt  }
0x75: {  	_ =	shalt  }
0x76: {  	_ =	shalt  }
0x77: {  	_ =	shalt  }
0x78: {  	_ =	shalt  }
0x79: {  	_ =	shalt  }
0x7a: {  	_ =	shalt  }
0x7b: {  	_ =	shalt  }
0x7c: {  	_ =	shalt  }
0x7d: {  	_ =	shalt  }
0x7e: {  	_ =	shalt  }
0x7f: {  	_ =	shalt  }
0x80: {  	_ =	shalt  }
0x81: {  	_ =	shalt  }
0x82: {  	_ =	shalt  }
0x83: {  	_ =	shalt  }
0x84: {  	_ =	shalt  }
0x85: {  	_ =	shalt  }
0x86: {  	_ =	shalt  }
0x87: {  	_ =	shalt  }
.Lfunc_end0:
.L_simem_size_0:
called_computation_lowered:
.L_overlay_start_0:
0x88: {  	s2 =	sld [smem:$0x3FD9]  }
0x89: {  	s3 =	sld [smem:$0x3FFE];
	_ =	sdelay $0x1  }
0x8a: {  	s1 =	srdreg.scid  }
0x8b: {  	s0 =	sand.u32 $0x1, s1  }
0x8c: {  	s17 =	sshll.u32 s0, $0xA;
	s2 =	sadd.s32 s3, s2  }
0x8d: {  	s2 =	sadd.s32 s2, s17  }
0x8e: {  	[smem:$0x3FC4] =	sst s2  }
0x8f: {  	_ = 	snop  }
0x90: {  	s2 =	sld [smem:$0x3FC8];
	(tm) =	ssettm $0x1  }
0x91: {  	s18 =	sld [smem:$0x3FFB];
	_ =	sdelay $0x3  }
0x92: {  	_ =	strace s18  }
0x93: {  	s3 =	sld [smem:$0x3FFC];
	_ =	sdelay $0x3  }
0x94: {  	_ =	strace s3  }
0x95: {  	s3 =	sld [smem:$0x3FFD];
	_ =	sdelay $0x3  }
0x96: {  	_ =	strace s3  }
0x97: {  	_ =	strace $0x8FFFFFFF  }
0x98: {  	s19 =	sld [smem:$0x3FDB];
	_ =	sdelay $0x1  }
0x99: {  	s4 =	simm.s32 $_scs_section_size  }
0x9a: {  	s5 =	simm.s32 $_size__tile_overlayer_lowered;
	s6 =	simm.s32 $_tile_overlayer_lowered  }
0x9b: {  	s22 =	simm.s32 $0x1BFF;
	s21 =	sshll.u32 s6, $0x1;
	s3 =	sadd.s32 s4, s19  }
0x9c: {  	s7 =	simm.s32 $0x0;
	s20 =	sshll.u32 s5, $0x1;
	s5 =	sadd.s32 s21, s3  }
0x9d: {  	[timem:s7], [sflag:s22] =	dma.local [hbm:s5], s20  }
0x9e: {  	_ =	swait.ge [sflag:s22], s20  }
0x9f: {  	s4 =	ssub.s32 $0x0, s20;
	[sflag:s22] =	ssyncset.done $0x0  }
0xa0: {  	[sflag:s22] =	ssyncadd.s32 s4;
	_ =	sdelay $0x1  }
0xa1: {  	s23 =	simm.s32 $0x1B8B  }
0xa2: {  	_ =	swait.ge [sflag:s23], $0x1  }
0xa3: {  	[sflag:s23] =	ssyncset.done $0x0  }
0xa4: {  	s25 =	simm.s32 $0x1B8E;
	s24 =	sld [smem:$0x3FFE];
	[sflag:s23] =	ssyncadd.s32 $0xFFFFFFFF  }
0xa5: {  	s26 =	simm.s32 $execute0_lowered;
	[smem:$0x3FD2] =	sst s25  }
0xa6: {  	s5 =	sshll.u32 s26, $0x1;
	_ =	strace $0x80000046;
	[dreg:$0x1] =	wrdreg $0xFFFFFFFF  }
0xa7: {  	s28 =	simm.s32 $_size_execute0_lowered;
	s3 =	sadd.s32 s3, s5;
	[dreg:$0x0] =	wrdreg $0x0  }
0xa8: {  	s5 =	sshll.u32 s28, $0x1;
	[dreg:$0x2] =	wrdreg s3  }
0xa9: {  	[dreg:$0x3] =	wrdreg s5  }
0xaa: {  	[dreg:$0x4] =	wrdreg $0xC0  }
0xab: {  	_ =	task [dreg:s7], $0x5FFFF  }
0xac: {  	[dreg:$0x1] =	wrdreg $0xFFFFFFFF  }
0xad: {  	[dreg:$0x0] =	wrdreg $0x60  }
0xae: {  	[dreg:$0x2] =	wrdreg s24  }
0xaf: {  	[dreg:$0x3] =	wrdreg s2  }
0xb0: {  	[dreg:$0x4] =	wrdreg $0x9  }
0xb1: {  	_ =	task.clear_ibuf [dreg:s7], $0x5FFFF;
	_ =	strace $0x90000046  }
0xb2: {  	s29 =	simm.s32 $0x9;
	_ =	strace $0x80000048  }
0xb3: {  	_ =	swait.ge [sflag:s29], $0x1  }
0xb4: {  	[sflag:s29] =	ssyncadd.s32 $0xFFFFFFFF  }
0xb5: {  	_ =	strace $0x90000048  }
0xb6: {  	_ =	sfence  }
0xb7: {  	s30 =	sld [smem:$0x0];
	_ =	sdelay $0x2  }
0xb8: {  	s31 =	sshll.u32 s1, $0xD;
	s1 =	sshrl.u32 s1, $0x2  }
0xb9: {  	s3 =	sand.u32 $0x4000, s31;
	s1 =	sadd.s32 s1, s30  }
0xba: {  	s0 =	sor.u32 s3, s0;
	s1 =	sshll.u32 s1, $0x11  }
0xbb: {  	s0 =	sor.u32 s1, s0  }
0xbc: {  	s0 =	sadd.s32 $0x8F2B, s0  }
0xbd: {  	[sflag:s0] =	ssyncadd.remote.s32 $0x1  }
0xbe: {  	_ =	sfence.sel $0xFFFF  }
0xbf: {  	[dreg:$0x0] =	wrdreg $0xFFFFFFFF;
	(pc) =	sbr.abs _section_cstart, $3  }
0xc0: {  	[dreg:$0x1] =	wrdreg $0xFFFFFFFF  }
0xc1: {  	_ =	task.clear_ibuf [dreg:s7], $0x2FFFF;
	_ =	strace $0x9FFFFFFF  }
0xc2: {  	(tm) =	ssettm $0x7FFFFFFF  }
0xc3: {  	_ =	shalt  }
tec
execute0_lowered:
.L_overlay_start_1:
0x0: {  	(tag) =	ssettag $0x1  }
0x1: {  	s0 =	rddreg [dreg:$0x0]  }
0x2: {  	s2 =	rddreg [dreg:$0x1];
	s1 =	simm.s32 $0x0;
	s3 =	srdreg.scid  }
0x3: {  	s17 =	stileid.u32;
	s18 =	simm.s32 $0x5;
	s19 =	simm.s32 $0x7D0  }
0x4: {  	s20 =	simm.s32 $0xFA0;
	s21 =	simm.s32 $0x1770;
	s22 =	simm.s32 $0x3F00  }
0x5: {  	s23 =	simm.s32 $0x1;
	s24 =	simm.s32 $0x4F00;
	s25 =	simm.s32 $0x2  }
0x6: {  	s28 =	simm.s32 $0x3;
	s29 =	simm.s32 $0x0;
	[smem:$0x7FF] =	sst s1  }
0x7: {  	s9 =	sadd.s32 $0x1000, s0;
	s10 =	sadd.s32 $0x4200, s0;
	s3 =	sand.u32 $0x1, s3  }
0x8: {  	s4 =	sshll.u32 s17, $0x1;
	s11 =	sadd.s32 $0x7400, s0;
	s12 =	sadd.s32 $0xA600, s0  }
0x9: {  	p0 =	sgt.u32 s17, $0x8;
	s5 =	ssub.s32 $0x2, s3;
	s3 =	sor.u32 s3, s4  }
0xa: {  	_ =	strace $0x80000047;
	s31 =	sshrl.u32 s5, $0x1;
	s14 =	smul.u32 $0xFA, s3  }
0xb: {  	s3 =	sadd.s32 $0xD800, s0;
	s0 =	sadd.s32 $0xDA00, s0;
	s16 =	ssub.s32 s5, s31  }
.Ltmp0:
0xc: {  	s4 =	sadd.s32 s9, s14;
	s5 =	sadd.s32 s10, s14;
	(pc) =	sbr.rel .LBB2_1-.Ltmp0, $4  }
0xd: {  	s6 =	sadd.s32 s11, s14;
	s7 =	sadd.s32 s12, s14;
	s8 =	sadd.s32 s2, s14  }
0xe: {  	s15 =	sadd.s32 $0x1F40, s14;
	s14 =	sadd.s32 s0, s14;
	s16 =	smax.u32 s16, $0x1  }
0xf: {  	s9 =	sadd.s32 s9, s15;
	s10 =	sadd.s32 s10, s15;
	s11 =	sadd.s32 s11, s15  }
0x10: {  	s12 =	sadd.s32 s12, s15;
	s13 =	sadd.s32 s2, s15;
	s15 =	sadd.s32 s0, s15  }
.LBB2_6:
0x11: {  	v1 =	vsel vm1, v1, v7;
	v3 =	vsel vm2, v3, v6  }
0x12: {  	v2 =	vsel vm4, v2, v8;
	v3 =	vadd.f32 v3, v0;
	v1 =	vsel vm0, v4, v1  }
0x13: {  	v2 =	vsel vm3, v5, v2;
	v1 =	vadd.f32 v1, v0  }
0x14: {  	v2 =	vadd.f32 v2, v0;
	[tilespmem:s0+$0xFFFFFFE0] =	vst v3  }
0x15: {  	[tilespmem:s0+$0xFFFFFFF0] =	vst v1  }
0x16: {  	[tilespmem:s0+$0x0] =	vst v2  }
0x17: {  	v1 =	vld [tilespmem:$0x4EC0]  }
0x18: {  	v2 =	vld [tilespmem:$0x36E0]  }
0x19: {  	v3 =	vld [tilespmem:$0x3EB0]  }
0x1a: {  	v60 =	vld [tilespmem:$0x2F10]  }
0x1b: {  	v61 =	vld [tilespmem:$0x2740];
	_ =	sdelay $0x1  }
0x1c: {  	vm13 =	veq.s32 v1, $0x2  }
0x1d: {  	vm14 =	veq.s32 v1, $0x1;
	v2 =	vsel vm13, v2, v3  }
0x1e: {  	vm15 =	veq.s32 v1, $0x0;
	v62 =	vsel vm14, v60, v2  }
0x1f: {  	v1 =	vsel vm15, v61, v62  }
0x20: {  	v63 =	vadd.f32 v1, v0;
	_ =	sdelay $0x1  }
0x21: {  	s31 =	simm.s32 $0x5700;
	[tilespmem:$0x5EC0] =	vst v63  }
0x22: {  	[hbm4b:s15+s1] =	stream.linear.scatter [tilespmem:s31], [sflag:$0x4], $0x7D0, $0x38;
	[tilespmem:$0x5F80] =	vst v63  }
0x23: {  	_ =	swait.ge [sflag:s28], $0x7D0  }
0x24: {  	[sflag:s28] =	ssyncset.done $0x0  }
0x25: {  	s0 =	simm.s32 $0x4;
	[sflag:s28] =	ssyncadd.s32 $0xFFFFF830  }
.LBB2_7:
0x26: {  	s29 =	sadd.s32 $0x1, s29  }
0x27: {  	p1 =	sne.s32 s29, s16  }
.Ltmp1:
0x28: {  	_ = 	snop;
	(pc) =	sbr.rel @!p1 .LBB2_8-.Ltmp1, $4  }
0x29: {  	_ = 	snop  }
0x2a: {  	_ =	swait.ge [sflag:s0], $0x7D0  }
0x2b: {  	[sflag:s0] =	ssyncset.done $0x0  }
0x2c: {  	[sflag:s0] =	ssyncadd.s32 $0xFFFFF830  }
.LBB2_1:
0x2d: {  	s0 =	simm.s32 $0x5F00  }
0x2e: {  	[tilespmem:s0], [sflag:$0x5] =	stream.linear.gather [hbm4b:s3+s1], $0x80, $0x38;
	[tilespmem:$0x5F80] =	vst v63  }
0x2f: {  	_ =	swait.ge [sflag:s18], $0x80  }
0x30: {  	[sflag:s18] =	ssyncset.done $0x0  }
0x31: {  	[sflag:s18] =	ssyncadd.s32 $0xFFFFFF80  }
0x32: {  	[tilespmem:s1], [sflag:$0x1] =	stream.linear.gather [hbm4b:s4+s1], $0x7D0, $0x38;
	[tilespmem:$0x5F80] =	vst v63  }
0x33: {  	_ = 	snop  }
0x34: {  	[tilespmem:s19], [sflag:$0x1] =	stream.linear.gather [hbm4b:s5+s1], $0x7D0, $0x38;
	[tilespmem:$0x5F80] =	vst v63  }
0x35: {  	_ = 	snop  }
0x36: {  	[tilespmem:s20], [sflag:$0x1] =	stream.linear.gather [hbm4b:s6+s1], $0x7D0, $0x38;
	[tilespmem:$0x5F80] =	vst v63  }
0x37: {  	_ = 	snop  }
0x38: {  	[tilespmem:s21], [sflag:$0x1] =	stream.linear.gather [hbm4b:s7+s1], $0x7D0, $0x38;
	[tilespmem:$0x5F80] =	vst v63  }
0x39: {  	_ = 	snop  }
0x3a: {  	[tilespmem:s22], [sflag:$0x1] =	stream.linear.gather [hbm4b:s8+s1], $0x7D0, $0x38;
	[tilespmem:$0x5F80] =	vst v63  }
0x3b: {  	s2 =	simm.s32 @!p0 $0x1F80;
	s0 =	simm.s32 @!p0 $0x0  }
0x3c: {  	[tilespmem:s2], [sflag:$0x2] =	stream.linear.gather @!p0 [hbm4b:s9+s0], $0x7D0, $0x38;
	[tilespmem:$0x5F80] =	vst v63  }
0x3d: {  	s2 =	simm.s32 @!p0 $0x2750  }
0x3e: {  	[tilespmem:s2], [sflag:$0x2] =	stream.linear.gather @!p0 [hbm4b:s10+s0], $0x7D0, $0x38;
	[tilespmem:$0x5F80] =	vst v63  }
0x3f: {  	s2 =	simm.s32 @!p0 $0x2F20  }
0x40: {  	[tilespmem:s2], [sflag:$0x2] =	stream.linear.gather @!p0 [hbm4b:s11+s0], $0x7D0, $0x38;
	[tilespmem:$0x5F80] =	vst v63  }
0x41: {  	s2 =	simm.s32 @!p0 $0x36F0  }
0x42: {  	[tilespmem:s2], [sflag:$0x2] =	stream.linear.gather @!p0 [hbm4b:s12+s0], $0x7D0, $0x38;
	[tilespmem:$0x5F80] =	vst v63  }
0x43: {  	s2 =	simm.s32 @!p0 $0x4700  }
0x44: {  	[tilespmem:s2], [sflag:$0x2] =	stream.linear.gather @!p0 [hbm4b:s13+s0], $0x7D0, $0x38;
	[tilespmem:$0x5F80] =	vst v63  }
0x45: {  	_ =	swait.ge [sflag:s23], $0x7D0  }
0x46: {  	[sflag:s23] =	ssyncset.done $0x0  }
0x47: {  	[sflag:s23] =	ssyncadd.s32 $0xFFFFF830  }
0x48: {  	_ =	swait.ge [sflag:s23], $0x7D0  }
0x49: {  	[sflag:s23] =	ssyncset.done $0x0  }
0x4a: {  	[sflag:s23] =	ssyncadd.s32 $0xFFFFF830  }
0x4b: {  	_ =	swait.ge [sflag:s23], $0x7D0  }
0x4c: {  	[sflag:s23] =	ssyncset.done $0x0  }
0x4d: {  	[sflag:s23] =	ssyncadd.s32 $0xFFFFF830  }
0x4e: {  	_ =	swait.ge [sflag:s23], $0x7D0  }
0x4f: {  	[sflag:s23] =	ssyncset.done $0x0  }
0x50: {  	[sflag:s23] =	ssyncadd.s32 $0xFFFFF830  }
0x51: {  	_ =	swait.ge [sflag:s23], $0x7D0  }
0x52: {  	[sflag:s23] =	ssyncset.done $0x0  }
0x53: {  	[sflag:s23] =	ssyncadd.s32 $0xFFFFF830  }
0x54: {  	v0 =	vld [tilespmem:$0x5F00]  }
0x55: {  	s30 =	simm.s32 $0x3F20;
	v1 =	vld [tilespmem:s20+$0x30]  }
0x56: {  	v2 =	vld [tilespmem:s30+$0x10]  }
0x57: {  	s26 =	sand.u32 $0x7C0, s1;
	v3 =	vld [tilespmem:s20+$0x800]  }
0x58: {  	v4 =	vld [tilespmem:s26+$0x800]  }
0x59: {  	v5 =	vld [tilespmem:s20+$0xFFFFF090]  }
0x5a: {  	v6 =	vld [tilespmem:s30+$0xFFFFFFF0]  }
0x5b: {  	v7 =	vld [tilespmem:s30+$0x0]  }
0x5c: {  	v8 =	vld [tilespmem:s30+$0xFFFFFFE0]  }
0x5d: {  	v9 =	vld [tilespmem:s26+$0x1780]  }
0x5e: {  	v10 =	vld [tilespmem:s20+$0x0]  }
0x5f: {  	v11 =	vld [tilespmem:s20+$0x7D0]  }
0x60: {  	v13 =	vld [tilespmem:s20+$0x20]  }
0x61: {  	v14 =	vld [tilespmem:s20+$0x7F0];
	vm0 =	veq.s32 v2, $0x2  }
0x62: {  	v12 =	vld [tilespmem:s20+$0x10];
	vm1 =	veq.s32 v2, $0x1;
	v1 =	vsel vm0, v1, v3  }
0x63: {  	v15 =	vld [tilespmem:s20+$0xFFFFF830];
	vm0 =	veq.s32 v2, $0x0;
	v1 =	vsel vm1, v4, v1  }
0x64: {  	vm5 =	veq.s32 v6, $0x2;
	vm2 =	veq.s32 v8, $0x0;
	v3 =	vsel vm0, v5, v1;
	v1 =	vld [tilespmem:s20+$0xFFFFF840]  }
0x65: {  	vm3 =	veq.s32 v8, $0x2;
	vm6 =	veq.s32 v8, $0x1;
	vm7 =	veq.s32 v7, $0x2;
	v2 =	vld [tilespmem:s20+$0xFFFFF850]  }
0x66: {  	vm4 =	veq.s32 v7, $0x1;
	v8 =	vsel vm7, v13, v14;
	v5 =	vadd.f32 v3, v0;
	v3 =	vld [tilespmem:s20+$0xFFFFF060]  }
0x67: {  	s31 =	simm.s32 $0x4F20;
	vm1 =	veq.s32 v6, $0x1;
	v4 =	vld [tilespmem:s20+$0xFFFFF070];
	vm0 =	veq.s32 v6, $0x0;
	v6 =	vsel vm3, v10, v11  }
0x68: {  	s0 =	simm.s32 $0x0;
	s2 =	simm.s32 $0xFE0;
	s26 =	simm.s32 $0x0;
	vm3 =	veq.s32 v7, $0x0;
	v7 =	vsel vm5, v12, v9;
	v6 =	vsel vm6, v15, v6;
	[tilespmem:s31+$0x10] =	vst v5;
	v5 =	vld [tilespmem:s20+$0xFFFFF080]  }
.LBB2_2:
0x69: {  	v9 =	vld [tilespmem:s2+$0x30];
	v1 =	vsel vm1, v1, v7;
	s30 =	sadd.s32 $0x40, s30  }
0x6a: {  	s0 =	sadd.s32 $0x4, s0;
	s26 =	sadd.s32 $0x40, s26;
	v7 =	vld [tilespmem:s30+$0x10];
	v2 =	vsel vm4, v2, v8  }
0x6b: {  	s17 =	sand.u32 $0x7C0, s26;
	p1 =	slt.u32 s0, $0x78;
	v8 =	vld [tilespmem:s2+$0x800];
	v3 =	vsel vm2, v3, v6  }
0x6c: {  	v6 =	vld [tilespmem:s17+$0x800];
	v3 =	vadd.f32 v3, v0;
	v1 =	vsel vm0, v4, v1  }
0x6d: {  	v4 =	vld [tilespmem:s2+$0xFFFFF090];
	v1 =	vadd.f32 v1, v0;
	v2 =	vsel vm3, v5, v2  }
0x6e: {  	v5 =	vld [tilespmem:s30+$0xFFFFFFF0];
	[tilespmem:s31+$0xFFFFFFE0] =	vst v3;
	v2 =	vadd.f32 v2, v0  }
0x6f: {  	v3 =	vld [tilespmem:s30+$0x0];
	vm0 =	veq.s32 v7, $0x2;
	[tilespmem:s31+$0xFFFFFFF0] =	vst v1  }
0x70: {  	vm1 =	veq.s32 v7, $0x1;
	v1 =	vld [tilespmem:s30+$0xFFFFFFE0];
	v8 =	vsel vm0, v9, v8;
	[tilespmem:s31+$0x0] =	vst v2  }
0x71: {  	vm0 =	veq.s32 v7, $0x0;
	v2 =	vld [tilespmem:s17+$0x1780];
	v6 =	vsel vm1, v6, v8  }
0x72: {  	v7 =	vld [tilespmem:s2+$0x0];
	v4 =	vsel vm0, v4, v6  }
0x73: {  	v6 =	vld [tilespmem:s2+$0x7D0];
	vm1 =	veq.s32 v5, $0x1;
	vm5 =	veq.s32 v5, $0x2;
	v4 =	vadd.f32 v4, v0  }
0x74: {  	s31 =	sadd.s32 $0x40, s31;
	vm0 =	veq.s32 v5, $0x0;
	v8 =	vld [tilespmem:s2+$0x10];
	vm4 =	veq.s32 v3, $0x1;
	vm6 =	veq.s32 v3, $0x2  }
0x75: {  	vm2 =	veq.s32 v1, $0x0;
	vm7 =	veq.s32 v1, $0x1;
	vm8 =	veq.s32 v1, $0x2;
	v5 =	vld [tilespmem:s2+$0x20];
	[tilespmem:s31+$0x10] =	vst v4  }
0x76: {  	vm3 =	veq.s32 v3, $0x0;
	v9 =	vld [tilespmem:s2+$0x7F0]  }
0x77: {  	v10 =	vld [tilespmem:s2+$0xFFFFF830]  }
.Ltmp2:
0x78: {  	v6 =	vsel vm8, v7, v6;
	v1 =	vld [tilespmem:s2+$0xFFFFF840];
	(pc) =	sbr.rel @p1 .LBB2_2-.Ltmp2, $4  }
0x79: {  	v7 =	vsel vm5, v8, v2;
	v2 =	vld [tilespmem:s2+$0xFFFFF850]  }
0x7a: {  	v3 =	vld [tilespmem:s2+$0xFFFFF060]  }
0x7b: {  	v4 =	vld [tilespmem:s2+$0xFFFFF070];
	v8 =	vsel vm6, v5, v9  }
0x7c: {  	v6 =	vsel vm7, v10, v6;
	v5 =	vld [tilespmem:s2+$0xFFFFF080];
	s2 =	sadd.s32 $0x40, s2  }
0x7d: {  	_ =	sdelay $0x1  }
0x7e: {  	v1 =	vsel vm1, v1, v7;
	v3 =	vsel vm2, v3, v6  }
0x7f: {  	v2 =	vsel vm4, v2, v8;
	v3 =	vadd.f32 v3, v0;
	v1 =	vsel vm0, v4, v1  }
0x80: {  	v1 =	vadd.f32 v1, v0;
	v2 =	vsel vm3, v5, v2  }
0x81: {  	[tilespmem:s31+$0xFFFFFFE0] =	vst v3;
	v2 =	vadd.f32 v2, v0  }
0x82: {  	[tilespmem:s31+$0xFFFFFFF0] =	vst v1  }
0x83: {  	[tilespmem:s31+$0x0] =	vst v2  }
0x84: {  	v1 =	vld [tilespmem:$0x46C0]  }
0x85: {  	v2 =	vld [tilespmem:$0x1760]  }
0x86: {  	v3 =	vld [tilespmem:$0x1F30]  }
0x87: {  	v60 =	vld [tilespmem:$0xF90]  }
0x88: {  	v61 =	vld [tilespmem:$0x7C0];
	_ =	sdelay $0x1  }
0x89: {  	vm13 =	veq.s32 v1, $0x2  }
0x8a: {  	vm14 =	veq.s32 v1, $0x1;
	v2 =	vsel vm13, v2, v3  }
0x8b: {  	vm15 =	veq.s32 v1, $0x0;
	v62 =	vsel vm14, v60, v2  }
.Ltmp3:
0x8c: {  	v1 =	vsel vm15, v61, v62;
	(pc) =	sbr.rel @p0 .LBB2_7-.Ltmp3, $3  }
0x8d: {  	v63 =	vadd.f32 v1, v0;
	_ =	sdelay $0x1  }
0x8e: {  	s0 =	simm.s32 $0x3;
	[tilespmem:$0x56C0] =	vst v63  }
0x8f: {  	[hbm4b:s14+s1] =	stream.linear.scatter [tilespmem:s24], [sflag:$0x3], $0x7D0, $0x38;
	[tilespmem:$0x5F80] =	vst v63  }
0x90: {  	_ =	swait.ge [sflag:s25], $0x7D0  }
0x91: {  	[sflag:s25] =	ssyncset.done $0x0  }
0x92: {  	[sflag:s25] =	ssyncadd.s32 $0xFFFFF830  }
0x93: {  	_ =	swait.ge [sflag:s25], $0x7D0  }
0x94: {  	[sflag:s25] =	ssyncset.done $0x0  }
0x95: {  	[sflag:s25] =	ssyncadd.s32 $0xFFFFF830  }
0x96: {  	_ =	swait.ge [sflag:s25], $0x7D0  }
0x97: {  	[sflag:s25] =	ssyncset.done $0x0  }
0x98: {  	[sflag:s25] =	ssyncadd.s32 $0xFFFFF830  }
0x99: {  	_ =	swait.ge [sflag:s25], $0x7D0  }
0x9a: {  	[sflag:s25] =	ssyncset.done $0x0  }
0x9b: {  	[sflag:s25] =	ssyncadd.s32 $0xFFFFF830  }
0x9c: {  	_ =	swait.ge [sflag:s25], $0x7D0  }
0x9d: {  	[sflag:s25] =	ssyncset.done $0x0  }
0x9e: {  	[sflag:s25] =	ssyncadd.s32 $0xFFFFF830  }
0x9f: {  	s17 =	simm.s32 $0x2F20;
	v0 =	vld [tilespmem:$0x5F00]  }
0xa0: {  	s30 =	simm.s32 $0x4720;
	v1 =	vld [tilespmem:s17+$0x30]  }
0xa1: {  	s31 =	simm.s32 $0x0;
	v2 =	vld [tilespmem:s30+$0x10]  }
0xa2: {  	s0 =	sand.u32 $0x7C0, s31;
	v3 =	vld [tilespmem:s17+$0x800]  }
0xa3: {  	v4 =	vld [tilespmem:s0+$0x2780]  }
0xa4: {  	v5 =	vld [tilespmem:s17+$0xFFFFF090]  }
0xa5: {  	v6 =	vld [tilespmem:s30+$0xFFFFFFF0]  }
0xa6: {  	v7 =	vld [tilespmem:s30+$0x0]  }
0xa7: {  	v8 =	vld [tilespmem:s30+$0xFFFFFFE0]  }
0xa8: {  	v9 =	vld [tilespmem:s0+$0x3700]  }
0xa9: {  	v10 =	vld [tilespmem:s17+$0x0]  }
0xaa: {  	v11 =	vld [tilespmem:s17+$0x7D0]  }
0xab: {  	v13 =	vld [tilespmem:s17+$0x20]  }
0xac: {  	v14 =	vld [tilespmem:s17+$0x7F0];
	vm0 =	veq.s32 v2, $0x2  }
0xad: {  	v12 =	vld [tilespmem:s17+$0x10];
	vm1 =	veq.s32 v2, $0x1;
	v1 =	vsel vm0, v1, v3  }
0xae: {  	v15 =	vld [tilespmem:s17+$0xFFFFF830];
	vm0 =	veq.s32 v2, $0x0;
	v1 =	vsel vm1, v4, v1  }
0xaf: {  	vm5 =	veq.s32 v6, $0x2;
	vm2 =	veq.s32 v8, $0x0;
	v3 =	vsel vm0, v5, v1;
	v1 =	vld [tilespmem:s17+$0xFFFFF840]  }
0xb0: {  	vm3 =	veq.s32 v8, $0x2;
	vm6 =	veq.s32 v8, $0x1;
	vm7 =	veq.s32 v7, $0x2;
	v2 =	vld [tilespmem:s17+$0xFFFFF850]  }
0xb1: {  	vm4 =	veq.s32 v7, $0x1;
	v8 =	vsel vm7, v13, v14;
	v5 =	vadd.f32 v3, v0;
	v3 =	vld [tilespmem:s17+$0xFFFFF060]  }
0xb2: {  	s0 =	simm.s32 $0x5720;
	vm1 =	veq.s32 v6, $0x1;
	v4 =	vld [tilespmem:s17+$0xFFFFF070];
	vm0 =	veq.s32 v6, $0x0;
	v6 =	vsel vm3, v10, v11  }
0xb3: {  	s2 =	simm.s32 $0x0;
	s26 =	simm.s32 $0x2F60;
	vm3 =	veq.s32 v7, $0x0;
	v7 =	vsel vm5, v12, v9;
	v6 =	vsel vm6, v15, v6;
	[tilespmem:s0+$0x10] =	vst v5;
	v5 =	vld [tilespmem:s17+$0xFFFFF080]  }
.LBB2_5:
0xb4: {  	v9 =	vld [tilespmem:s26+$0x30];
	v1 =	vsel vm1, v1, v7;
	s30 =	sadd.s32 $0x40, s30  }
0xb5: {  	s2 =	sadd.s32 $0x4, s2;
	v2 =	vsel vm4, v2, v8;
	s31 =	sadd.s32 $0x40, s31;
	v7 =	vld [tilespmem:s30+$0x10]  }
0xb6: {  	v3 =	vsel vm2, v3, v6;
	s17 =	sand.u32 $0x7C0, s31;
	p1 =	slt.u32 s2, $0x78;
	v8 =	vld [tilespmem:s26+$0x800]  }
0xb7: {  	v3 =	vadd.f32 v3, v0;
	v1 =	vsel vm0, v4, v1;
	v6 =	vld [tilespmem:s17+$0x2780]  }
0xb8: {  	v2 =	vsel vm3, v5, v2;
	v1 =	vadd.f32 v1, v0;
	v4 =	vld [tilespmem:s26+$0xFFFFF090]  }
0xb9: {  	v2 =	vadd.f32 v2, v0;
	v5 =	vld [tilespmem:s30+$0xFFFFFFF0];
	[tilespmem:s0+$0xFFFFFFE0] =	vst v3  }
0xba: {  	v3 =	vld [tilespmem:s30+$0x0];
	vm0 =	veq.s32 v7, $0x2;
	[tilespmem:s0+$0xFFFFFFF0] =	vst v1  }
0xbb: {  	vm1 =	veq.s32 v7, $0x1;
	v1 =	vld [tilespmem:s30+$0xFFFFFFE0];
	v8 =	vsel vm0, v9, v8;
	[tilespmem:s0+$0x0] =	vst v2  }
0xbc: {  	vm0 =	veq.s32 v7, $0x0;
	v2 =	vld [tilespmem:s17+$0x3700];
	v6 =	vsel vm1, v6, v8  }
0xbd: {  	v7 =	vld [tilespmem:s26+$0x0];
	v4 =	vsel vm0, v4, v6  }
0xbe: {  	v6 =	vld [tilespmem:s26+$0x7D0];
	vm1 =	veq.s32 v5, $0x1;
	vm5 =	veq.s32 v5, $0x2;
	v4 =	vadd.f32 v4, v0  }
0xbf: {  	s0 =	sadd.s32 $0x40, s0;
	vm0 =	veq.s32 v5, $0x0;
	v8 =	vld [tilespmem:s26+$0x10];
	vm4 =	veq.s32 v3, $0x1;
	vm6 =	veq.s32 v3, $0x2  }
0xc0: {  	vm2 =	veq.s32 v1, $0x0;
	vm7 =	veq.s32 v1, $0x1;
	vm8 =	veq.s32 v1, $0x2;
	v5 =	vld [tilespmem:s26+$0x20];
	[tilespmem:s0+$0x10] =	vst v4  }
0xc1: {  	vm3 =	veq.s32 v3, $0x0;
	v9 =	vld [tilespmem:s26+$0x7F0]  }
0xc2: {  	v10 =	vld [tilespmem:s26+$0xFFFFF830]  }
.Ltmp4:
0xc3: {  	v6 =	vsel vm8, v7, v6;
	v1 =	vld [tilespmem:s26+$0xFFFFF840];
	(pc) =	sbr.rel @p1 .LBB2_5-.Ltmp4, $4  }
0xc4: {  	v7 =	vsel vm5, v8, v2;
	v2 =	vld [tilespmem:s26+$0xFFFFF850]  }
0xc5: {  	v3 =	vld [tilespmem:s26+$0xFFFFF060]  }
0xc6: {  	v4 =	vld [tilespmem:s26+$0xFFFFF070];
	v8 =	vsel vm6, v5, v9  }
0xc7: {  	v6 =	vsel vm7, v10, v6;
	v5 =	vld [tilespmem:s26+$0xFFFFF080];
	s26 =	sadd.s32 $0x40, s26  }
.Ltmp5:
0xc8: {  	_ = 	snop;
	(pc) =	sbr.rel .LBB2_6-.Ltmp5, $1  }
0xc9: {  	_ =	sdelay $0x3  }
.LBB2_8:
0xca: {  	_ =	sfence.sel $0x180000  }
0xcb: {  	[bflag:$0x0] =	sbarrier.arrive $0xFFFF  }
0xcc: {  	_ =	strace $0x90000047  }
0xcd: {  	s0 =	stileid.u32;
	[bflag:$0x2] =	sbarrier.arrive $0xFFFF  }
0xce: {  	p0 =	sne.s32 s0, $0x0;
	s0 =	rddreg [dreg:$0x2]  }
0xcf: {  	s0 =	sadd.s32 @!p0 $0x100000, s0  }
0xd0: {  	[sflag:s0] =	ssyncadd.tile.s32 @!p0 $0x1;
	_ =	shalt  }
.Lfunc_end2:
_tile_overlayer_lowered:
.L_overlay_start_2:
0xd1: {  	(tag) =	ssettag $0x2  }
0xd2: {  	s0 =	rddreg [dreg:$0x0];
	s2 =	stileid.u32  }
0xd3: {  	s1 =	rddreg [dreg:$0x1];
	p0 =	sne.s32 s2, $0x0  }
0xd4: {  	s3 =	rddreg [dreg:$0x2];
	[bflag:$0x3] =	sbarrier.arrive $0xFFFF;
	s2 =	simm.s32 @!p0 $0x1C05  }
0xd5: {  	[timem:s3], [sflag:s2] =	dma.local @!p0 [hbm:s0], s1  }
0xd6: {  	s0 =	simm.s32 @!p0 $0x5  }
0xd7: {  	_ =	swait.ge @!p0 [sflag:s0], s1  }
0xd8: {  	s1 =	ssub.s32 @!p0 $0x0, s1;
	[sflag:s0] =	ssyncset.done @!p0 $0x0  }
0xd9: {  	[sflag:s0] =	ssyncadd.s32 @!p0 s1  }
0xda: {  	[bflag:$0x3] =	sbarrier.arrive $0xFFFF  }
0xdb: {  	_ =	shalt  }

</sc_bundles>
